<compile_context>
chip_gen: v7x
topology: tpu7x:2x2x1
jax: 0.10.2.dev20260603
libtpu: 0.0.44.dev20260713+nightly
codegen_flags: <defaults>
</compile_context>

<pallas_src>
import functools
import math

import jax
import jax.numpy as jnp
from jax import lax
from jax.experimental import pallas as pl
from jax.experimental.pallas import tpu as pltpu
from jax.experimental.pallas import tpu_sc as plsc

B = 4096
E = 64
F = 256
T = 128
LOG2T = 7
CAP = B + E * T
NT = CAP // T
NTPAD = NT + 16
NW = 32
WT = B // NW
CHW = WT // 16
G = 16
LOG2G = 4

def _zero16():
    return jnp.zeros((16,), jnp.int32)


def _ones16():
    return jnp.ones((16,), jnp.int32)


def _dyn_gather(x, idx):
    dnums = lax.GatherDimensionNumbers(
        offset_dims=(), collapsed_slice_dims=(0,), start_index_map=(0,))
    return lax.gather(x, idx[:, None], dnums, (1,),
                      mode=lax.GatherScatterMode.PROMISE_IN_BOUNDS)


def _chunk_rank(ev):
    lane = lax.iota(jnp.int32, 16)

    def body(k, r):
        vk = _dyn_gather(ev, jnp.zeros((16,), jnp.int32) + k)
        return r + ((lane > k) & (ev == vk)).astype(jnp.int32)

    return lax.fori_loop(0, 15, body, jnp.zeros((16,), jnp.int32))


def _dispatch_body(idx_hbm, x_hbm, sx_hbm, pos_hbm, te_hbm,
                   idxv, prefv, histv, basev, dv, startsv, tev, posva, posvb,
                   xv, sem, sem2, sem3):
    wid = lax.axis_index("s") * 2 + lax.axis_index("c")
    tok0 = wid * WT

    xcp = pltpu.async_copy(x_hbm.at[pl.ds(tok0, WT)], xv, sem)
    pltpu.sync_copy(idx_hbm, idxv)

    def _zero_ref(ref, nchunks):
        def zbody(i, c):
            ref[pl.ds(i * 16, 16)] = _zero16()
            return c
        lax.fori_loop(0, nchunks, zbody, 0)

    _zero_ref(prefv, E // 16)

    def _hist(ref):
        def body(c, carry):
            ev = idxv[pl.ds(c * 16, 16)]
            plsc.addupdate_scatter(ref, [ev], _ones16())
            return carry
        return body

    lax.fori_loop(0, wid * CHW, _hist(prefv), 0)

    def cpbody(i, c):
        histv[pl.ds(16 * i, 16)] = prefv[pl.ds(16 * i, 16)]
        return c
    lax.fori_loop(0, E // 16, cpbody, 0)
    lax.fori_loop(wid * CHW, B // 16, _hist(histv), 0)

    def csbody(i, carry):
        tot = histv[pl.ds(16 * i, 16)]
        pt = ((tot + (T - 1)) >> LOG2T) << LOG2T
        cs = plsc.cumsum(pt)
        excl = cs - pt + carry
        basev[pl.ds(16 * i, 16)] = excl + prefv[pl.ds(16 * i, 16)]
        startsv[pl.ds(16 * i, 16)] = excl >> LOG2T
        return carry + jnp.sum(pt)
    carry = lax.fori_loop(0, E // 16, csbody, jnp.int32(0))

    @pl.when(wid == 0)
    def _():
        _zero_ref(dv, NTPAD // 16)

        def sbody(i, c):
            plsc.addupdate_scatter(dv, [startsv[pl.ds(16 * i, 16)]], _ones16())
            return c
        lax.fori_loop(0, E // 16, sbody, 0)

        def tebody(i, tc):
            dd = dv[pl.ds(16 * i, 16)]
            tev[pl.ds(16 * i, 16)] = plsc.cumsum(dd) + tc - 1
            return tc + jnp.sum(dd)
        lax.fori_loop(0, NT // 16, tebody, jnp.int32(0))
        real_tiles = carry >> LOG2T
        lrs = ((real_tiles + (G - 1)) >> LOG2G) - 1
        tev[pl.ds(NT, 16)] = jnp.zeros((16,), jnp.int32) + lrs
        pltpu.sync_copy(tev, te_hbm)

    def _poshalf(pref, h):
        def posbody(c, cc):
            ev = idxv[pl.ds((wid * CHW + h * (CHW // 2) + c) * 16, 16)]
            g = plsc.load_gather(basev, [ev])
            pref[pl.ds(c * 16, 16)] = g + _chunk_rank(ev)
            plsc.addupdate_scatter(basev, [ev], _ones16())
            return cc
        lax.fori_loop(0, CHW // 2, posbody, 0)

    HT = WT // 2
    _poshalf(posva, 0)
    xcp.wait()
    scA = pltpu.async_copy(xv.at[pl.ds(0, HT)], sx_hbm.at[posva], sem2)
    _poshalf(posvb, 1)
    scB = pltpu.async_copy(xv.at[pl.ds(HT, HT)], sx_hbm.at[posvb], sem3)
    pltpu.sync_copy(posva, pos_hbm.at[pl.ds(tok0, HT)])
    pltpu.sync_copy(posvb, pos_hbm.at[pl.ds(tok0 + HT, HT)])
    scA.wait()
    scB.wait()


def _combine_body(pos_hbm, py_hbm, out_hbm, posva, posvb, yva, yvb,
                  s1, s2, s3, s4):
    wid = lax.axis_index("s") * 2 + lax.axis_index("c")
    tok0 = wid * WT
    HT = WT // 2
    pltpu.sync_copy(pos_hbm.at[pl.ds(tok0, HT)], posva)
    gA = pltpu.async_copy(py_hbm.at[posva], yva, s1)
    pltpu.sync_copy(pos_hbm.at[pl.ds(tok0 + HT, HT)], posvb)
    gB = pltpu.async_copy(py_hbm.at[posvb], yvb, s2)
    gA.wait()
    wA = pltpu.async_copy(yva, out_hbm.at[pl.ds(tok0, HT)], s3)
    gB.wait()
    wB = pltpu.async_copy(yvb, out_hbm.at[pl.ds(tok0 + HT, HT)], s4)
    wA.wait()
    wB.wait()


def _mm_body(te_ref, xs_ref, *rest):
    ws, o_ref = rest[:-1], rest[-1]

    @pl.when(pl.program_id(0) <= te_ref[NT])
    def _():
        for g in range(G):
            sl = pl.ds(g * T, T)
            o_ref[sl] = lax.dot_general(
                xs_ref[sl], ws[g][0],
                dimension_numbers=(((1,), (1,)), ((), ())),
                preferred_element_type=jnp.float32)


def kernel(input, index, weight):
    idx = index.astype(jnp.int32)
    mesh = plsc.VectorSubcoreMesh(core_axis_name="c", subcore_axis_name="s")

    dispatch = pl.kernel(
        _dispatch_body,
        out_type=[
            jax.ShapeDtypeStruct((CAP, F), jnp.float32),
            jax.ShapeDtypeStruct((B,), jnp.int32),
            jax.ShapeDtypeStruct((NT + 16,), jnp.int32),
        ],
        mesh=mesh,
        compiler_params=pltpu.CompilerParams(needs_layout_passes=False),
        scratch_types=[
            pltpu.VMEM((B,), jnp.int32),
            pltpu.VMEM((E,), jnp.int32),
            pltpu.VMEM((E,), jnp.int32),
            pltpu.VMEM((E,), jnp.int32),
            pltpu.VMEM((NTPAD,), jnp.int32),
            pltpu.VMEM((E,), jnp.int32),
            pltpu.VMEM((NT + 16,), jnp.int32),
            pltpu.VMEM((WT // 2,), jnp.int32),
            pltpu.VMEM((WT // 2,), jnp.int32),
            pltpu.VMEM((WT, F), jnp.float32),
            pltpu.SemaphoreType.DMA,
            pltpu.SemaphoreType.DMA,
            pltpu.SemaphoreType.DMA,
        ],
    )
    sx, pos, te = dispatch(idx, input)

    def _w_spec(g):
        return pl.BlockSpec(
            (1, F, F),
            lambda s, te_r, g=g: (te_r[jnp.minimum(s, te_r[NT]) * G + g], 0, 0))

    def _row_spec(s, te_r):
        return (jnp.minimum(s, te_r[NT]), 0)

    grid_spec = pltpu.PrefetchScalarGridSpec(
        num_scalar_prefetch=1,
        grid=(NT // G,),
        in_specs=[pl.BlockSpec((G * T, F), _row_spec)]
                 + [_w_spec(g) for g in range(G)],
        out_specs=pl.BlockSpec((G * T, F), _row_spec),
    )
    py = pl.pallas_call(
        _mm_body, grid_spec=grid_spec,
        out_shape=jax.ShapeDtypeStruct((CAP, F), jnp.float32),
    )(te, sx, *([weight] * G))

    combine = pl.kernel(
        _combine_body,
        out_type=jax.ShapeDtypeStruct((B, F), jnp.float32),
        mesh=mesh,
        compiler_params=pltpu.CompilerParams(needs_layout_passes=False),
        scratch_types=[
            pltpu.VMEM((WT // 2,), jnp.int32),
            pltpu.VMEM((WT // 2,), jnp.int32),
            pltpu.VMEM((WT // 2, F), jnp.float32),
            pltpu.VMEM((WT // 2, F), jnp.float32),
            pltpu.SemaphoreType.DMA,
            pltpu.SemaphoreType.DMA,
            pltpu.SemaphoreType.DMA,
            pltpu.SemaphoreType.DMA,
        ],
    )
    return combine(pos, py)

# --- scband reference (transcript-rebuilt; emitter-appended) ---
"""Pipeline reference for scband-switching-linear-13915694039649 (READ-ONLY COPY).

The authoritative reference and input builder live on the scoring server;
editing this copy changes nothing except your own understanding.
"""

import jax, jax.numpy as jnp
import numpy as np
import math

NUM_CLASSES = 64
IN_FEATURES = 256
OUT_FEATURES = 256
TOKENS = 4096

def _kaiming_uniform(key, shape, a=math.sqrt(5)):
    # torch.nn.init.kaiming_uniform_ with a=sqrt(5) on [E, out, in]:
    # fan_in = in_features (last dim), gain = sqrt(2/(1+a^2)), bound = gain*sqrt(3/fan_in)
    fan_in = shape[-1]
    gain = math.sqrt(2.0 / (1.0 + a * a))
    bound = gain * math.sqrt(3.0 / fan_in)
    return jax.random.uniform(key, shape, dtype=jnp.float32, minval=-bound, maxval=bound)

def setup_inputs(seed: int = 0) -> dict:
    key = jax.random.key(seed)
    k1, k2, k3 = jax.random.split(key, 3)
    inp = jax.random.normal(k1, (TOKENS, IN_FEATURES), dtype=jnp.float32)
    index = jax.random.randint(k2, (TOKENS,), 0, NUM_CLASSES, dtype=jnp.int64 if jax.config.read('jax_enable_x64') else jnp.int32)
    weight = _kaiming_uniform(k3, (NUM_CLASSES, OUT_FEATURES, IN_FEATURES))
    return {"input": inp, "index": index, "weight": weight}

def reference(input, index, weight):
    # weight gather per token: [B, out, in]
    w = jnp.take(weight, index, axis=0)
    # torch.bmm(weight, input.unsqueeze(-1)).squeeze(-1)
    out = jnp.einsum('boi,bi->bo', w, input)
    return out

if __name__ == "__main__":
    import jax
    _d = setup_inputs()
    print(jax.jit(kernel)(*tuple(_d.values())))

</pallas_src>

<mosaic_0001>
#map = affine_map<(d0, d1) -> (0)>
#map1 = affine_map<(d0, d1) -> (0, 0)>
module attributes {stable_mosaic.version = 14 : i64} {
  func.func @_combine_body(%arg0: i32, %arg1: i32, %arg2: memref<4096xi32, #tpu.memory_space<hbm>>, %arg3: memref<12288x256xf32, #tpu.memory_space<hbm>>, %arg4: memref<4096x256xf32, #tpu.memory_space<hbm>>, %arg5: memref<64xi32, #tpu.memory_space<vmem>>, %arg6: memref<64xi32, #tpu.memory_space<vmem>>, %arg7: memref<64x256xf32, #tpu.memory_space<vmem>>, %arg8: memref<64x256xf32, #tpu.memory_space<vmem>>, %arg9: memref<!tpu.dma_semaphore, #tpu.memory_space<semaphore_mem>>, %arg10: memref<!tpu.dma_semaphore, #tpu.memory_space<semaphore_mem>>, %arg11: memref<!tpu.dma_semaphore, #tpu.memory_space<semaphore_mem>>, %arg12: memref<!tpu.dma_semaphore, #tpu.memory_space<semaphore_mem>>) attributes {dimension_semantics = [#tpu.dimension_semantics<core_parallel>, #tpu.dimension_semantics<subcore_parallel>], iteration_bounds = array<i64: 2, 16>, scalar_prefetch = 0 : i64, scratch_operands = 8 : i64, tpu.core_type = #tpu.core_type<sc_vector_subcore>, window_params = [{transform_indices = #map}, {transform_indices = #map1}, {transform_indices = #map1}]} {
    %mul3A = arith.constant 2 : i32
    %mul3A_0 = arith.muli %arg1, %mul3A : i32
    %add3A = arith.addi %mul3A_0, %arg0 : i32
    %mul3A_1 = arith.constant 128 : i32
    %mul3A_2 = arith.muli %add3A, %mul3A_1 : i32
    "tpu.region"() ({
      %run_scoped3A = tpu.sem_alloc : memref<!tpu.dma_semaphore, #tpu.memory_space<semaphore_mem>>
      %dma_start3A_33 = tpu.memref_slice %arg2[%mul3A_2] : memref<4096xi32, #tpu.memory_space<hbm>> -> memref<64xi32, #tpu.memory_space<hbm>>
      %dma_start3A_34 = tpu.memref_slice %arg2[%mul3A_2] : memref<4096xi32, #tpu.memory_space<hbm>> -> memref<64xi32, #tpu.memory_space<hbm>>
      tpu.enqueue_dma source(%dma_start3A_34 : memref<64xi32, #tpu.memory_space<hbm>>) target(%arg5 : memref<64xi32, #tpu.memory_space<vmem>>) target_semaphore(%run_scoped3A : memref<!tpu.dma_semaphore, #tpu.memory_space<semaphore_mem>>)
      %dma_wait3A_35 = tpu.memref_slice %arg2[%mul3A_2] : memref<4096xi32, #tpu.memory_space<hbm>> -> memref<64xi32, #tpu.memory_space<hbm>>
      %dma_wait3A_36 = tpu.memref_slice %arg2[%mul3A_2] : memref<4096xi32, #tpu.memory_space<hbm>> -> memref<64xi32, #tpu.memory_space<hbm>>
      tpu.wait_dma2 semaphore(%run_scoped3A : memref<!tpu.dma_semaphore, #tpu.memory_space<semaphore_mem>>) src(%dma_wait3A_36 : memref<64xi32, #tpu.memory_space<hbm>>) dst(%arg5 : memref<64xi32, #tpu.memory_space<vmem>>)
      tpu.yield
    }) : () -> ()
    %dma_start3A = arith.constant 0 : i32
    %dma_start3A_3 = arith.constant 0 : i32
    %dma_start3A_4 = tpu.memref_slice %arg3[%dma_start3A, %dma_start3A_3] : memref<12288x256xf32, #tpu.memory_space<hbm>> -> memref<12288x256xf32, #tpu.memory_space<hbm>>
    tpu.enqueue_indirect_dma source(%dma_start3A_4 : memref<12288x256xf32, #tpu.memory_space<hbm>>) target(%arg7 : memref<64x256xf32, #tpu.memory_space<vmem>>) offsets(%arg5 : memref<64xi32, #tpu.memory_space<vmem>>) semaphore(%arg9 : memref<!tpu.dma_semaphore, #tpu.memory_space<semaphore_mem>>)
    %add3A_5 = arith.constant 64 : i32
    %add3A_6 = arith.addi %mul3A_2, %add3A_5 : i32
    "tpu.region"() ({
      %run_scoped3A = tpu.sem_alloc : memref<!tpu.dma_semaphore, #tpu.memory_space<semaphore_mem>>
      %dma_start3A_33 = tpu.memref_slice %arg2[%add3A_6] : memref<4096xi32, #tpu.memory_space<hbm>> -> memref<64xi32, #tpu.memory_space<hbm>>
      %dma_start3A_34 = tpu.memref_slice %arg2[%add3A_6] : memref<4096xi32, #tpu.memory_space<hbm>> -> memref<64xi32, #tpu.memory_space<hbm>>
      tpu.enqueue_dma source(%dma_start3A_34 : memref<64xi32, #tpu.memory_space<hbm>>) target(%arg6 : memref<64xi32, #tpu.memory_space<vmem>>) target_semaphore(%run_scoped3A : memref<!tpu.dma_semaphore, #tpu.memory_space<semaphore_mem>>)
      %dma_wait3A_35 = tpu.memref_slice %arg2[%add3A_6] : memref<4096xi32, #tpu.memory_space<hbm>> -> memref<64xi32, #tpu.memory_space<hbm>>
      %dma_wait3A_36 = tpu.memref_slice %arg2[%add3A_6] : memref<4096xi32, #tpu.memory_space<hbm>> -> memref<64xi32, #tpu.memory_space<hbm>>
      tpu.wait_dma2 semaphore(%run_scoped3A : memref<!tpu.dma_semaphore, #tpu.memory_space<semaphore_mem>>) src(%dma_wait3A_36 : memref<64xi32, #tpu.memory_space<hbm>>) dst(%arg6 : memref<64xi32, #tpu.memory_space<vmem>>)
      tpu.yield
    }) : () -> ()
    %dma_start3A_7 = arith.constant 0 : i32
    %dma_start3A_8 = arith.constant 0 : i32
    %dma_start3A_9 = tpu.memref_slice %arg3[%dma_start3A_7, %dma_start3A_8] : memref<12288x256xf32, #tpu.memory_space<hbm>> -> memref<12288x256xf32, #tpu.memory_space<hbm>>
    tpu.enqueue_indirect_dma source(%dma_start3A_9 : memref<12288x256xf32, #tpu.memory_space<hbm>>) target(%arg8 : memref<64x256xf32, #tpu.memory_space<vmem>>) offsets(%arg6 : memref<64xi32, #tpu.memory_space<vmem>>) semaphore(%arg10 : memref<!tpu.dma_semaphore, #tpu.memory_space<semaphore_mem>>)
    %dma_wait3A = arith.constant 0 : i32
    %dma_wait3A_10 = arith.constant 0 : i32
    %dma_wait3A_11 = tpu.memref_slice %arg3[%dma_wait3A, %dma_wait3A_10] : memref<12288x256xf32, #tpu.memory_space<hbm>> -> memref<12288x256xf32, #tpu.memory_space<hbm>>
    tpu.wait_indirect_dma semaphore(%arg9 : memref<!tpu.dma_semaphore, #tpu.memory_space<semaphore_mem>>) src(%dma_wait3A_11 : memref<12288x256xf32, #tpu.memory_space<hbm>>) dst(%arg7 : memref<64x256xf32, #tpu.memory_space<vmem>>)
    %dma_start3A_12 = arith.constant 0 : i32
    %dma_start3A_13 = tpu.memref_slice %arg4[%mul3A_2, %dma_start3A_12] : memref<4096x256xf32, #tpu.memory_space<hbm>> -> memref<64x256xf32, #tpu.memory_space<hbm>>
    %dma_start3A_14 = arith.constant 0 : i32
    %dma_start3A_15 = tpu.memref_slice %arg4[%mul3A_2, %dma_start3A_14] : memref<4096x256xf32, #tpu.memory_space<hbm>> -> memref<64x256xf32, #tpu.memory_space<hbm>>
    tpu.enqueue_dma source(%arg7 : memref<64x256xf32, #tpu.memory_space<vmem>>) target(%dma_start3A_15 : memref<64x256xf32, #tpu.memory_space<hbm>>) target_semaphore(%arg11 : memref<!tpu.dma_semaphore, #tpu.memory_space<semaphore_mem>>)
    %dma_wait3A_16 = arith.constant 0 : i32
    %dma_wait3A_17 = arith.constant 0 : i32
    %dma_wait3A_18 = tpu.memref_slice %arg3[%dma_wait3A_16, %dma_wait3A_17] : memref<12288x256xf32, #tpu.memory_space<hbm>> -> memref<12288x256xf32, #tpu.memory_space<hbm>>
    tpu.wait_indirect_dma semaphore(%arg10 : memref<!tpu.dma_semaphore, #tpu.memory_space<semaphore_mem>>) src(%dma_wait3A_18 : memref<12288x256xf32, #tpu.memory_space<hbm>>) dst(%arg8 : memref<64x256xf32, #tpu.memory_space<vmem>>)
    %add3A_19 = arith.constant 64 : i32
    %add3A_20 = arith.addi %mul3A_2, %add3A_19 : i32
    %dma_start3A_21 = arith.constant 0 : i32
    %dma_start3A_22 = tpu.memref_slice %arg4[%add3A_20, %dma_start3A_21] : memref<4096x256xf32, #tpu.memory_space<hbm>> -> memref<64x256xf32, #tpu.memory_space<hbm>>
    %dma_start3A_23 = arith.constant 0 : i32
    %dma_start3A_24 = tpu.memref_slice %arg4[%add3A_20, %dma_start3A_23] : memref<4096x256xf32, #tpu.memory_space<hbm>> -> memref<64x256xf32, #tpu.memory_space<hbm>>
    tpu.enqueue_dma source(%arg8 : memref<64x256xf32, #tpu.memory_space<vmem>>) target(%dma_start3A_24 : memref<64x256xf32, #tpu.memory_space<hbm>>) target_semaphore(%arg12 : memref<!tpu.dma_semaphore, #tpu.memory_space<semaphore_mem>>)
    %dma_wait3A_25 = arith.constant 0 : i32
    %dma_wait3A_26 = tpu.memref_slice %arg4[%mul3A_2, %dma_wait3A_25] : memref<4096x256xf32, #tpu.memory_space<hbm>> -> memref<64x256xf32, #tpu.memory_space<hbm>>
    %dma_wait3A_27 = arith.constant 0 : i32
    %dma_wait3A_28 = tpu.memref_slice %arg4[%mul3A_2, %dma_wait3A_27] : memref<4096x256xf32, #tpu.memory_space<hbm>> -> memref<64x256xf32, #tpu.memory_space<hbm>>
    tpu.wait_dma2 semaphore(%arg11 : memref<!tpu.dma_semaphore, #tpu.memory_space<semaphore_mem>>) src(%arg7 : memref<64x256xf32, #tpu.memory_space<vmem>>) dst(%dma_wait3A_28 : memref<64x256xf32, #tpu.memory_space<hbm>>)
    %dma_wait3A_29 = arith.constant 0 : i32
    %dma_wait3A_30 = tpu.memref_slice %arg4[%add3A_20, %dma_wait3A_29] : memref<4096x256xf32, #tpu.memory_space<hbm>> -> memref<64x256xf32, #tpu.memory_space<hbm>>
    %dma_wait3A_31 = arith.constant 0 : i32
    %dma_wait3A_32 = tpu.memref_slice %arg4[%add3A_20, %dma_wait3A_31] : memref<4096x256xf32, #tpu.memory_space<hbm>> -> memref<64x256xf32, #tpu.memory_space<hbm>>
    tpu.wait_dma2 semaphore(%arg12 : memref<!tpu.dma_semaphore, #tpu.memory_space<semaphore_mem>>) src(%arg8 : memref<64x256xf32, #tpu.memory_space<vmem>>) dst(%dma_wait3A_32 : memref<64x256xf32, #tpu.memory_space<hbm>>)
    return
  }
}

#map = affine_map<(d0, d1) -> (0)>
#map1 = affine_map<(d0, d1) -> (0, 0)>
module attributes {stable_mosaic.version = 14 : i64} {
  func.func @_dispatch_body(%arg0: i32, %arg1: i32, %arg2: memref<4096xi32, #tpu.memory_space<hbm>>, %arg3: memref<4096x256xf32, #tpu.memory_space<hbm>>, %arg4: memref<12288x256xf32, #tpu.memory_space<hbm>>, %arg5: memref<4096xi32, #tpu.memory_space<hbm>>, %arg6: memref<112xi32, #tpu.memory_space<hbm>>, %arg7: memref<4096xi32, #tpu.memory_space<vmem>>, %arg8: memref<64xi32, #tpu.memory_space<vmem>>, %arg9: memref<64xi32, #tpu.memory_space<vmem>>, %arg10: memref<64xi32, #tpu.memory_space<vmem>>, %arg11: memref<112xi32, #tpu.memory_space<vmem>>, %arg12: memref<64xi32, #tpu.memory_space<vmem>>, %arg13: memref<112xi32, #tpu.memory_space<vmem>>, %arg14: memref<64xi32, #tpu.memory_space<vmem>>, %arg15: memref<64xi32, #tpu.memory_space<vmem>>, %arg16: memref<128x256xf32, #tpu.memory_space<vmem>>, %arg17: memref<!tpu.dma_semaphore, #tpu.memory_space<semaphore_mem>>, %arg18: memref<!tpu.dma_semaphore, #tpu.memory_space<semaphore_mem>>, %arg19: memref<!tpu.dma_semaphore, #tpu.memory_space<semaphore_mem>>) attributes {dimension_semantics = [#tpu.dimension_semantics<core_parallel>, #tpu.dimension_semantics<subcore_parallel>], iteration_bounds = array<i64: 2, 16>, scalar_prefetch = 0 : i64, scratch_operands = 13 : i64, tpu.core_type = #tpu.core_type<sc_vector_subcore>, window_params = [{transform_indices = #map}, {transform_indices = #map1}, {transform_indices = #map1}, {transform_indices = #map}, {transform_indices = #map}]} {
    %mul3A = arith.constant 2 : i32
    %mul3A_0 = arith.muli %arg1, %mul3A : i32
    %add3A = arith.addi %mul3A_0, %arg0 : i32
    %mul3A_1 = arith.constant 128 : i32
    %mul3A_2 = arith.muli %add3A, %mul3A_1 : i32
    %dma_start3A = arith.constant 0 : i32
    %dma_start3A_3 = tpu.memref_slice %arg3[%mul3A_2, %dma_start3A] : memref<4096x256xf32, #tpu.memory_space<hbm>> -> memref<128x256xf32, #tpu.memory_space<hbm>>
    %dma_start3A_4 = arith.constant 0 : i32
    %dma_start3A_5 = tpu.memref_slice %arg3[%mul3A_2, %dma_start3A_4] : memref<4096x256xf32, #tpu.memory_space<hbm>> -> memref<128x256xf32, #tpu.memory_space<hbm>>
    tpu.enqueue_dma source(%dma_start3A_5 : memref<128x256xf32, #tpu.memory_space<hbm>>) target(%arg16 : memref<128x256xf32, #tpu.memory_space<vmem>>) target_semaphore(%arg17 : memref<!tpu.dma_semaphore, #tpu.memory_space<semaphore_mem>>)
    "tpu.region"() ({
      %run_scoped3A = tpu.sem_alloc : memref<!tpu.dma_semaphore, #tpu.memory_space<semaphore_mem>>
      tpu.enqueue_dma source(%arg2 : memref<4096xi32, #tpu.memory_space<hbm>>) target(%arg7 : memref<4096xi32, #tpu.memory_space<vmem>>) target_semaphore(%run_scoped3A : memref<!tpu.dma_semaphore, #tpu.memory_space<semaphore_mem>>)
      tpu.wait_dma2 semaphore(%run_scoped3A : memref<!tpu.dma_semaphore, #tpu.memory_space<semaphore_mem>>) src(%arg2 : memref<4096xi32, #tpu.memory_space<hbm>>) dst(%arg7 : memref<4096xi32, #tpu.memory_space<vmem>>)
      tpu.yield
    }) : () -> ()
    %scan3A = arith.constant 0 : i32
    %scan3A_6 = arith.constant 0 : i32
    %scan3A_7 = arith.constant 4 : i32
    %scan3A_8 = arith.addi %scan3A_6, %scan3A_7 : i32
    %scan3A_9 = arith.constant 1 : i32
    scf.for %scan3A_90 = %scan3A_6 to %scan3A_8 step %scan3A_9  : i32 {
      %broadcast_in_dim3A = arith.constant 0 : i32
      %broadcast_in_dim3A_91 = vector.broadcast %broadcast_in_dim3A : i32 to vector<16xi32>
      %mul3A_92 = arith.constant 16 : i32
      %mul3A_93 = arith.muli %scan3A_90, %mul3A_92 : i32
      %swap3A = arith.index_cast %mul3A_93 : i32 to index
      %swap3A_94 = tpu.vector_load %arg8[%swap3A] {strides = array<i32>} : memref<64xi32, #tpu.memory_space<vmem>>, vector<16xi32>,
      tpu.vector_store %arg8[%swap3A], %broadcast_in_dim3A_91 {strides = array<i32>} : memref<64xi32, #tpu.memory_space<vmem>>, vector<16xi32>,
    }
    %scan3A_10 = arith.constant 4 : i32
    %mul3A_11 = arith.constant 8 : i32
    %mul3A_12 = arith.muli %add3A, %mul3A_11 : i32
    %while3A = arith.constant 0 : i32
    %while3A_13 = arith.constant 0 : i32
    %while3A_14 = arith.subi %mul3A_12, %while3A_13 : i32
    %while3A_15 = arith.addi %while3A_13, %while3A_14 : i32
    %while3A_16 = arith.constant 1 : i32
    %while3A_17 = arith.divsi %while3A_14, %while3A_16 : i32
    %while3A_18 = arith.muli %while3A_17, %while3A_16 : i32
    %while3A_19 = arith.addi %while3A_13, %while3A_18 : i32
    %while3A_20 = arith.constant 1 : i32
    scf.for %while3A_90 = %while3A_13 to %while3A_19 step %while3A_20  : i32 {
      %mul3A_91 = arith.constant 16 : i32
      %mul3A_92 = arith.muli %while3A_90, %mul3A_91 : i32
      %get3A = arith.index_cast %mul3A_92 : i32 to index
      %get3A_93 = tpu.vector_load %arg7[%get3A] {strides = array<i32>} : memref<4096xi32, #tpu.memory_space<vmem>>, vector<16xi32>,
      %broadcast_in_dim3A = arith.constant 1 : i32
      %broadcast_in_dim3A_94 = vector.broadcast %broadcast_in_dim3A : i32 to vector<16xi32>
      tpu.vector_store_idx %arg8[%get3A_93], %broadcast_in_dim3A_94 {add = true} : memref<64xi32, #tpu.memory_space<vmem>>[vector<16xi32>], vector<16xi32>,
    }
    %while3A_21 = arith.constant 1 : i32
    scf.for %while3A_90 = %while3A_19 to %while3A_15 step %while3A_21  : i32 {
      %mul3A_91 = arith.constant 16 : i32
      %mul3A_92 = arith.muli %while3A_90, %mul3A_91 : i32
      %get3A = arith.index_cast %mul3A_92 : i32 to index
      %get3A_93 = tpu.vector_load %arg7[%get3A] {strides = array<i32>} : memref<4096xi32, #tpu.memory_space<vmem>>, vector<16xi32>,
      %broadcast_in_dim3A = arith.constant 1 : i32
      %broadcast_in_dim3A_94 = vector.broadcast %broadcast_in_dim3A : i32 to vector<16xi32>
      tpu.vector_store_idx %arg8[%get3A_93], %broadcast_in_dim3A_94 {add = true} : memref<64xi32, #tpu.memory_space<vmem>>[vector<16xi32>], vector<16xi32>,
    }
    %scan3A_22 = arith.constant 0 : i32
    %scan3A_23 = arith.constant 0 : i32
    %scan3A_24 = arith.constant 4 : i32
    %scan3A_25 = arith.addi %scan3A_23, %scan3A_24 : i32
    %scan3A_26 = arith.constant 1 : i32
    scf.for %scan3A_90 = %scan3A_23 to %scan3A_25 step %scan3A_26  : i32 {
      %mul3A_91 = arith.constant 16 : i32
      %mul3A_92 = arith.muli %mul3A_91, %scan3A_90 : i32
      %get3A = arith.index_cast %mul3A_92 : i32 to index
      %get3A_93 = tpu.vector_load %arg8[%get3A] {strides = array<i32>} : memref<64xi32, #tpu.memory_space<vmem>>, vector<16xi32>,
      %mul3A_94 = arith.constant 16 : i32
      %mul3A_95 = arith.muli %mul3A_94, %scan3A_90 : i32
      %swap3A = arith.index_cast %mul3A_95 : i32 to index
      %swap3A_96 = tpu.vector_load %arg9[%swap3A] {strides = array<i32>} : memref<64xi32, #tpu.memory_space<vmem>>, vector<16xi32>,
      tpu.vector_store %arg9[%swap3A], %get3A_93 {strides = array<i32>} : memref<64xi32, #tpu.memory_space<vmem>>, vector<16xi32>,
    }
    %scan3A_27 = arith.constant 4 : i32
    %mul3A_28 = arith.constant 8 : i32
    %mul3A_29 = arith.muli %add3A, %mul3A_28 : i32
    %while3A_30 = arith.constant 0 : i32
    %while3A_31 = arith.constant 256 : i32
    %while3A_32 = arith.subi %while3A_31, %mul3A_29 : i32
    %while3A_33 = arith.addi %mul3A_29, %while3A_32 : i32
    %while3A_34 = arith.constant 1 : i32
    %while3A_35 = arith.divsi %while3A_32, %while3A_34 : i32
    %while3A_36 = arith.muli %while3A_35, %while3A_34 : i32
    %while3A_37 = arith.addi %mul3A_29, %while3A_36 : i32
    %while3A_38 = arith.constant 1 : i32
    scf.for %while3A_90 = %mul3A_29 to %while3A_37 step %while3A_38  : i32 {
      %mul3A_91 = arith.constant 16 : i32
      %mul3A_92 = arith.muli %while3A_90, %mul3A_91 : i32
      %get3A = arith.index_cast %mul3A_92 : i32 to index
      %get3A_93 = tpu.vector_load %arg7[%get3A] {strides = array<i32>} : memref<4096xi32, #tpu.memory_space<vmem>>, vector<16xi32>,
      %broadcast_in_dim3A = arith.constant 1 : i32
      %broadcast_in_dim3A_94 = vector.broadcast %broadcast_in_dim3A : i32 to vector<16xi32>
      tpu.vector_store_idx %arg9[%get3A_93], %broadcast_in_dim3A_94 {add = true} : memref<64xi32, #tpu.memory_space<vmem>>[vector<16xi32>], vector<16xi32>,
    }
    %while3A_39 = arith.constant 1 : i32
    scf.for %while3A_90 = %while3A_37 to %while3A_33 step %while3A_39  : i32 {
      %mul3A_91 = arith.constant 16 : i32
      %mul3A_92 = arith.muli %while3A_90, %mul3A_91 : i32
      %get3A = arith.index_cast %mul3A_92 : i32 to index
      %get3A_93 = tpu.vector_load %arg7[%get3A] {strides = array<i32>} : memref<4096xi32, #tpu.memory_space<vmem>>, vector<16xi32>,
      %broadcast_in_dim3A = arith.constant 1 : i32
      %broadcast_in_dim3A_94 = vector.broadcast %broadcast_in_dim3A : i32 to vector<16xi32>
      tpu.vector_store_idx %arg9[%get3A_93], %broadcast_in_dim3A_94 {add = true} : memref<64xi32, #tpu.memory_space<vmem>>[vector<16xi32>], vector<16xi32>,
    }
    %scan3A_40 = arith.constant 0 : i32
    %scan3A_41 = arith.constant 0 : i32
    %scan3A_42 = arith.constant 4 : i32
    %scan3A_43 = arith.addi %scan3A_41, %scan3A_42 : i32
    %scan3A_44 = arith.constant 1 : i32
    %scan3A_45 = scf.for %scan3A_90 = %scan3A_41 to %scan3A_43 step %scan3A_44 iter_args(%scan3A_91 = %scan3A_40) -> (i32)  : i32 {
      %mul3A_92 = arith.constant 16 : i32
      %mul3A_93 = arith.muli %mul3A_92, %scan3A_90 : i32
      %get3A = arith.index_cast %mul3A_93 : i32 to index
      %get3A_94 = tpu.vector_load %arg9[%get3A] {strides = array<i32>} : memref<64xi32, #tpu.memory_space<vmem>>, vector<16xi32>,
      %add3A_95 = arith.constant 127 : i32
      %add3A_96 = vector.broadcast %add3A_95 : i32 to vector<16xi32>
      %add3A_97 = arith.addi %get3A_94, %add3A_96 : vector<16xi32>
      %shift_right_arithmetic3A = arith.constant 7 : i32
      %shift_right_arithmetic3A_98 = vector.broadcast %shift_right_arithmetic3A : i32 to vector<16xi32>
      %shift_right_arithmetic3A_99 = arith.shrsi %add3A_97, %shift_right_arithmetic3A_98 : vector<16xi32>
      %shift_left3A = arith.constant 7 : i32
      %shift_left3A_100 = vector.broadcast %shift_left3A : i32 to vector<16xi32>
      %shift_left3A_101 = arith.shli %shift_right_arithmetic3A_99, %shift_left3A_100 : vector<16xi32>
      %broadcast_in_dim3A = arith.constant true
      %broadcast_in_dim3A_102 = vector.broadcast %broadcast_in_dim3A : i1 to vector<16xi1>
      %masked_cumsum3A = tpu.scan <sum>, %shift_left3A_101 masked %broadcast_in_dim3A_102 : vector<16xi32>, vector<16xi1> -> vector<16xi32>
      %sub3A = arith.subi %masked_cumsum3A, %shift_left3A_101 : vector<16xi32>
      %add3A_103 = vector.broadcast %scan3A_91 : i32 to vector<16xi32>
      %add3A_104 = arith.addi %sub3A, %add3A_103 : vector<16xi32>
      %mul3A_105 = arith.constant 16 : i32
      %mul3A_106 = arith.muli %mul3A_105, %scan3A_90 : i32
      %get3A_107 = arith.index_cast %mul3A_106 : i32 to index
      %get3A_108 = tpu.vector_load %arg8[%get3A_107] {strides = array<i32>} : memref<64xi32, #tpu.memory_space<vmem>>, vector<16xi32>,
      %add3A_109 = arith.addi %add3A_104, %get3A_108 : vector<16xi32>
      %mul3A_110 = arith.constant 16 : i32
      %mul3A_111 = arith.muli %mul3A_110, %scan3A_90 : i32
      %swap3A = arith.index_cast %mul3A_111 : i32 to index
      %swap3A_112 = tpu.vector_load %arg10[%swap3A] {strides = array<i32>} : memref<64xi32, #tpu.memory_space<vmem>>, vector<16xi32>,
      tpu.vector_store %arg10[%swap3A], %add3A_109 {strides = array<i32>} : memref<64xi32, #tpu.memory_space<vmem>>, vector<16xi32>,
      %shift_right_arithmetic3A_113 = arith.constant 7 : i32
      %shift_right_arithmetic3A_114 = vector.broadcast %shift_right_arithmetic3A_113 : i32 to vector<16xi32>
      %shift_right_arithmetic3A_115 = arith.shrsi %add3A_104, %shift_right_arithmetic3A_114 : vector<16xi32>
      %mul3A_116 = arith.constant 16 : i32
      %mul3A_117 = arith.muli %mul3A_116, %scan3A_90 : i32
      %swap3A_118 = arith.index_cast %mul3A_117 : i32 to index
      %swap3A_119 = tpu.vector_load %arg12[%swap3A_118] {strides = array<i32>} : memref<64xi32, #tpu.memory_space<vmem>>, vector<16xi32>,
      tpu.vector_store %arg12[%swap3A_118], %shift_right_arithmetic3A_115 {strides = array<i32>} : memref<64xi32, #tpu.memory_space<vmem>>, vector<16xi32>,
      %reduce_sum3A = arith.constant true
      %reduce_sum3A_120 = vector.broadcast %reduce_sum3A : i1 to vector<16xi1>
      %reduce_sum3A_121 = tpu.scan <sum>, %shift_left3A_101 masked %reduce_sum3A_120 : vector<16xi32>, vector<16xi1> -> vector<16xi32>
      %reduce_sum3A_122 = vector.extract %reduce_sum3A_121[15] : i32 from vector<16xi32>
      %add3A_123 = arith.addi %scan3A_91, %reduce_sum3A_122 : i32
      scf.yield %add3A_123 : i32
    }
    %scan3A_46 = arith.constant 4 : i32
    %eq3A = arith.constant 0 : i32
    %eq3A_47 = arith.cmpi eq, %add3A, %eq3A : i32
    %convert_element_type3A = arith.extui %eq3A_47 : i1 to i32
    %cond3A = arith.constant 0 : i32
    %cond3A_48 = arith.cmpi ne, %convert_element_type3A, %cond3A : i32
    scf.if %cond3A_48 {
      %scan3A_90 = arith.constant 0 : i32
      %scan3A_91 = arith.constant 0 : i32
      %scan3A_92 = arith.constant 7 : i32
      %scan3A_93 = arith.addi %scan3A_91, %scan3A_92 : i32
      %scan3A_94 = arith.constant 1 : i32
      scf.for %scan3A_119 = %scan3A_91 to %scan3A_93 step %scan3A_94  : i32 {
        %broadcast_in_dim3A_120 = arith.constant 0 : i32
        %broadcast_in_dim3A_121 = vector.broadcast %broadcast_in_dim3A_120 : i32 to vector<16xi32>
        %mul3A_122 = arith.constant 16 : i32
        %mul3A_123 = arith.muli %scan3A_119, %mul3A_122 : i32
        %swap3A_124 = arith.index_cast %mul3A_123 : i32 to index
        %swap3A_125 = tpu.vector_load %arg11[%swap3A_124] {strides = array<i32>} : memref<112xi32, #tpu.memory_space<vmem>>, vector<16xi32>,
        tpu.vector_store %arg11[%swap3A_124], %broadcast_in_dim3A_121 {strides = array<i32>} : memref<112xi32, #tpu.memory_space<vmem>>, vector<16xi32>,
      }
      %scan3A_95 = arith.constant 7 : i32
      %scan3A_96 = arith.constant 0 : i32
      %scan3A_97 = arith.constant 0 : i32
      %scan3A_98 = arith.constant 4 : i32
      %scan3A_99 = arith.addi %scan3A_97, %scan3A_98 : i32
      %scan3A_100 = arith.constant 1 : i32
      scf.for %scan3A_119 = %scan3A_97 to %scan3A_99 step %scan3A_100  : i32 {
        %mul3A_120 = arith.constant 16 : i32
        %mul3A_121 = arith.muli %mul3A_120, %scan3A_119 : i32
        %get3A = arith.index_cast %mul3A_121 : i32 to index
        %get3A_122 = tpu.vector_load %arg12[%get3A] {strides = array<i32>} : memref<64xi32, #tpu.memory_space<vmem>>, vector<16xi32>,
        %broadcast_in_dim3A_123 = arith.constant 1 : i32
        %broadcast_in_dim3A_124 = vector.broadcast %broadcast_in_dim3A_123 : i32 to vector<16xi32>
        tpu.vector_store_idx %arg11[%get3A_122], %broadcast_in_dim3A_124 {add = true} : memref<112xi32, #tpu.memory_space<vmem>>[vector<16xi32>], vector<16xi32>,
      }
      %scan3A_101 = arith.constant 4 : i32
      %scan3A_102 = arith.constant 0 : i32
      %scan3A_103 = arith.constant 0 : i32
      %scan3A_104 = arith.constant 6 : i32
      %scan3A_105 = arith.addi %scan3A_103, %scan3A_104 : i32
      %scan3A_106 = arith.constant 1 : i32
      %scan3A_107 = scf.for %scan3A_119 = %scan3A_103 to %scan3A_105 step %scan3A_106 iter_args(%scan3A_120 = %scan3A_102) -> (i32)  : i32 {
        %mul3A_121 = arith.constant 16 : i32
        %mul3A_122 = arith.muli %mul3A_121, %scan3A_119 : i32
        %get3A = arith.index_cast %mul3A_122 : i32 to index
        %get3A_123 = tpu.vector_load %arg11[%get3A] {strides = array<i32>} : memref<112xi32, #tpu.memory_space<vmem>>, vector<16xi32>,
        %broadcast_in_dim3A_124 = arith.constant true
        %broadcast_in_dim3A_125 = vector.broadcast %broadcast_in_dim3A_124 : i1 to vector<16xi1>
        %masked_cumsum3A = tpu.scan <sum>, %get3A_123 masked %broadcast_in_dim3A_125 : vector<16xi32>, vector<16xi1> -> vector<16xi32>
        %add3A_126 = vector.broadcast %scan3A_120 : i32 to vector<16xi32>
        %add3A_127 = arith.addi %masked_cumsum3A, %add3A_126 : vector<16xi32>
        %sub3A_128 = arith.constant 1 : i32
        %sub3A_129 = vector.broadcast %sub3A_128 : i32 to vector<16xi32>
        %sub3A_130 = arith.subi %add3A_127, %sub3A_129 : vector<16xi32>
        %mul3A_131 = arith.constant 16 : i32
        %mul3A_132 = arith.muli %mul3A_131, %scan3A_119 : i32
        %swap3A_133 = arith.index_cast %mul3A_132 : i32 to index
        %swap3A_134 = tpu.vector_load %arg13[%swap3A_133] {strides = array<i32>} : memref<112xi32, #tpu.memory_space<vmem>>, vector<16xi32>,
        tpu.vector_store %arg13[%swap3A_133], %sub3A_130 {strides = array<i32>} : memref<112xi32, #tpu.memory_space<vmem>>, vector<16xi32>,
        %reduce_sum3A = arith.constant true
        %reduce_sum3A_135 = vector.broadcast %reduce_sum3A : i1 to vector<16xi1>
        %reduce_sum3A_136 = tpu.scan <sum>, %get3A_123 masked %reduce_sum3A_135 : vector<16xi32>, vector<16xi1> -> vector<16xi32>
        %reduce_sum3A_137 = vector.extract %reduce_sum3A_136[15] : i32 from vector<16xi32>
        %add3A_138 = arith.addi %scan3A_120, %reduce_sum3A_137 : i32
        scf.yield %add3A_138 : i32
      }
      %scan3A_108 = arith.constant 6 : i32
      %shift_right_arithmetic3A = arith.constant 7 : i32
      %shift_right_arithmetic3A_109 = arith.shrsi %scan3A_45, %shift_right_arithmetic3A : i32
      %add3A_110 = arith.constant 15 : i32
      %add3A_111 = arith.addi %shift_right_arithmetic3A_109, %add3A_110 : i32
      %shift_right_arithmetic3A_112 = arith.constant 4 : i32
      %shift_right_arithmetic3A_113 = arith.shrsi %add3A_111, %shift_right_arithmetic3A_112 : i32
      %sub3A = arith.constant 1 : i32
      %sub3A_114 = arith.subi %shift_right_arithmetic3A_113, %sub3A : i32
      %broadcast_in_dim3A = arith.constant 0 : i32
      %broadcast_in_dim3A_115 = vector.broadcast %broadcast_in_dim3A : i32 to vector<16xi32>
      %add3A_116 = vector.broadcast %sub3A_114 : i32 to vector<16xi32>
      %add3A_117 = arith.addi %broadcast_in_dim3A_115, %add3A_116 : vector<16xi32>
      %swap3A = arith.constant 96 : index
      %swap3A_118 = tpu.vector_load %arg13[%swap3A] {strides = array<i32>} : memref<112xi32, #tpu.memory_space<vmem>>, vector<16xi32>,
      tpu.vector_store %arg13[%swap3A], %add3A_117 {strides = array<i32>} : memref<112xi32, #tpu.memory_space<vmem>>, vector<16xi32>,
      "tpu.region"() ({
        %run_scoped3A = tpu.sem_alloc : memref<!tpu.dma_semaphore, #tpu.memory_space<semaphore_mem>>
        tpu.enqueue_dma source(%arg13 : memref<112xi32, #tpu.memory_space<vmem>>) target(%arg6 : memref<112xi32, #tpu.memory_space<hbm>>) target_semaphore(%run_scoped3A : memref<!tpu.dma_semaphore, #tpu.memory_space<semaphore_mem>>)
        tpu.wait_dma2 semaphore(%run_scoped3A : memref<!tpu.dma_semaphore, #tpu.memory_space<semaphore_mem>>) src(%arg13 : memref<112xi32, #tpu.memory_space<vmem>>) dst(%arg6 : memref<112xi32, #tpu.memory_space<hbm>>)
        tpu.yield
      }) : () -> ()
    } else {
    }
    %scan3A_49 = arith.constant 0 : i32
    %scan3A_50 = arith.constant 0 : i32
    %scan3A_51 = arith.constant 4 : i32
    %scan3A_52 = arith.addi %scan3A_50, %scan3A_51 : i32
    %scan3A_53 = arith.constant 1 : i32
    scf.for %scan3A_90 = %scan3A_50 to %scan3A_52 step %scan3A_53  : i32 {
      %mul3A_91 = arith.constant 8 : i32
      %mul3A_92 = arith.muli %add3A, %mul3A_91 : i32
      %add3A_93 = arith.constant 0 : i32
      %add3A_94 = arith.addi %mul3A_92, %add3A_93 : i32
      %add3A_95 = arith.addi %add3A_94, %scan3A_90 : i32
      %mul3A_96 = arith.constant 16 : i32
      %mul3A_97 = arith.muli %add3A_95, %mul3A_96 : i32
      %get3A = arith.index_cast %mul3A_97 : i32 to index
      %get3A_98 = tpu.vector_load %arg7[%get3A] {strides = array<i32>} : memref<4096xi32, #tpu.memory_space<vmem>>, vector<16xi32>,
      %gather3A = tpu.vector_load_idx %arg10[%get3A_98] : memref<64xi32, #tpu.memory_space<vmem>>[vector<16xi32>], vector<16xi32>,
      %iota3A = tpu.iota {dimensions = array<i32: 0>} : vector<16xi32>
      %broadcast_in_dim3A = arith.constant 0 : i32
      %broadcast_in_dim3A_99 = vector.broadcast %broadcast_in_dim3A : i32 to vector<16xi32>
      %scan3A_100 = arith.constant 0 : i32
      %scan3A_101 = arith.constant 15 : i32
      %scan3A_102 = arith.addi %scan3A_100, %scan3A_101 : i32
      %scan3A_103 = arith.constant 1 : i32
      %scan3A_104 = scf.for %scan3A_112 = %scan3A_100 to %scan3A_102 step %scan3A_103 iter_args(%scan3A_113 = %broadcast_in_dim3A_99) -> (vector<16xi32>)  : i32 {
        %broadcast_in_dim3A_114 = arith.constant 0 : i32
        %broadcast_in_dim3A_115 = vector.broadcast %broadcast_in_dim3A_114 : i32 to vector<16xi32>
        %add3A_116 = vector.broadcast %scan3A_112 : i32 to vector<16xi32>
        %add3A_117 = arith.addi %broadcast_in_dim3A_115, %add3A_116 : vector<16xi32>
        %broadcast_in_dim3A_118 = vector.shape_cast %add3A_117 : vector<16xi32> to vector<16x1xi32>
        %gather3A_119 = vector.shape_cast %broadcast_in_dim3A_118 : vector<16x1xi32> to vector<16xi32>
        %gather3A_120 = tpu.dynamic_gather %get3A_98[%gather3A_119] in [0] : vector<16xi32>, vector<16xi32> -> vector<16xi32>
        %gt3A = vector.broadcast %scan3A_112 : i32 to vector<16xi32>
        %gt3A_121 = arith.cmpi sgt, %iota3A, %gt3A : vector<16xi32>
        %eq3A_122 = arith.cmpi eq, %get3A_98, %gather3A_120 : vector<16xi32>
        %and3A = arith.andi %gt3A_121, %eq3A_122 : vector<16xi1>
        %convert_element_type3A_123 = arith.extui %and3A : vector<16xi1> to vector<16xi32>
        %add3A_124 = arith.addi %scan3A_113, %convert_element_type3A_123 : vector<16xi32>
        scf.yield %add3A_124 : vector<16xi32>
      }
      %scan3A_105 = arith.constant 15 : i32
      %add3A_106 = arith.addi %gather3A, %scan3A_104 : vector<16xi32>
      %mul3A_107 = arith.constant 16 : i32
      %mul3A_108 = arith.muli %scan3A_90, %mul3A_107 : i32
      %swap3A = arith.index_cast %mul3A_108 : i32 to index
      %swap3A_109 = tpu.vector_load %arg14[%swap3A] {strides = array<i32>} : memref<64xi32, #tpu.memory_space<vmem>>, vector<16xi32>,
      tpu.vector_store %arg14[%swap3A], %add3A_106 {strides = array<i32>} : memref<64xi32, #tpu.memory_space<vmem>>, vector<16xi32>,
      %broadcast_in_dim3A_110 = arith.constant 1 : i32
      %broadcast_in_dim3A_111 = vector.broadcast %broadcast_in_dim3A_110 : i32 to vector<16xi32>
      tpu.vector_store_idx %arg10[%get3A_98], %broadcast_in_dim3A_111 {add = true} : memref<64xi32, #tpu.memory_space<vmem>>[vector<16xi32>], vector<16xi32>,
    }
    %scan3A_54 = arith.constant 4 : i32
    %dma_wait3A = arith.constant 0 : i32
    %dma_wait3A_55 = tpu.memref_slice %arg3[%mul3A_2, %dma_wait3A] : memref<4096x256xf32, #tpu.memory_space<hbm>> -> memref<128x256xf32, #tpu.memory_space<hbm>>
    %dma_wait3A_56 = arith.constant 0 : i32
    %dma_wait3A_57 = tpu.memref_slice %arg3[%mul3A_2, %dma_wait3A_56] : memref<4096x256xf32, #tpu.memory_space<hbm>> -> memref<128x256xf32, #tpu.memory_space<hbm>>
    tpu.wait_dma2 semaphore(%arg17 : memref<!tpu.dma_semaphore, #tpu.memory_space<semaphore_mem>>) src(%dma_wait3A_57 : memref<128x256xf32, #tpu.memory_space<hbm>>) dst(%arg16 : memref<128x256xf32, #tpu.memory_space<vmem>>)
    %dma_start3A_58 = arith.constant 0 : i32
    %dma_start3A_59 = arith.constant 0 : i32
    %dma_start3A_60 = tpu.memref_slice %arg16[%dma_start3A_58, %dma_start3A_59] : memref<128x256xf32, #tpu.memory_space<vmem>> -> memref<64x256xf32, #tpu.memory_space<vmem>>
    %dma_start3A_61 = arith.constant 0 : i32
    %dma_start3A_62 = arith.constant 0 : i32
    %dma_start3A_63 = tpu.memref_slice %arg4[%dma_start3A_61, %dma_start3A_62] : memref<12288x256xf32, #tpu.memory_space<hbm>> -> memref<12288x256xf32, #tpu.memory_space<hbm>>
    tpu.enqueue_indirect_dma source(%dma_start3A_60 : memref<64x256xf32, #tpu.memory_space<vmem>>) target(%dma_start3A_63 : memref<12288x256xf32, #tpu.memory_space<hbm>>) offsets(%arg14 : memref<64xi32, #tpu.memory_space<vmem>>) semaphore(%arg18 : memref<!tpu.dma_semaphore, #tpu.memory_space<semaphore_mem>>)
    %scan3A_64 = arith.constant 0 : i32
    %scan3A_65 = arith.constant 0 : i32
    %scan3A_66 = arith.constant 4 : i32
    %scan3A_67 = arith.addi %scan3A_65, %scan3A_66 : i32
    %scan3A_68 = arith.constant 1 : i32
    scf.for %scan3A_90 = %scan3A_65 to %scan3A_67 step %scan3A_68  : i32 {
      %mul3A_91 = arith.constant 8 : i32
      %mul3A_92 = arith.muli %add3A, %mul3A_91 : i32
      %add3A_93 = arith.constant 4 : i32
      %add3A_94 = arith.addi %mul3A_92, %add3A_93 : i32
      %add3A_95 = arith.addi %add3A_94, %scan3A_90 : i32
      %mul3A_96 = arith.constant 16 : i32
      %mul3A_97 = arith.muli %add3A_95, %mul3A_96 : i32
      %get3A = arith.index_cast %mul3A_97 : i32 to index
      %get3A_98 = tpu.vector_load %arg7[%get3A] {strides = array<i32>} : memref<4096xi32, #tpu.memory_space<vmem>>, vector<16xi32>,
      %gather3A = tpu.vector_load_idx %arg10[%get3A_98] : memref<64xi32, #tpu.memory_space<vmem>>[vector<16xi32>], vector<16xi32>,
      %iota3A = tpu.iota {dimensions = array<i32: 0>} : vector<16xi32>
      %broadcast_in_dim3A = arith.constant 0 : i32
      %broadcast_in_dim3A_99 = vector.broadcast %broadcast_in_dim3A : i32 to vector<16xi32>
      %scan3A_100 = arith.constant 0 : i32
      %scan3A_101 = arith.constant 15 : i32
      %scan3A_102 = arith.addi %scan3A_100, %scan3A_101 : i32
      %scan3A_103 = arith.constant 1 : i32
      %scan3A_104 = scf.for %scan3A_112 = %scan3A_100 to %scan3A_102 step %scan3A_103 iter_args(%scan3A_113 = %broadcast_in_dim3A_99) -> (vector<16xi32>)  : i32 {
        %broadcast_in_dim3A_114 = arith.constant 0 : i32
        %broadcast_in_dim3A_115 = vector.broadcast %broadcast_in_dim3A_114 : i32 to vector<16xi32>
        %add3A_116 = vector.broadcast %scan3A_112 : i32 to vector<16xi32>
        %add3A_117 = arith.addi %broadcast_in_dim3A_115, %add3A_116 : vector<16xi32>
        %broadcast_in_dim3A_118 = vector.shape_cast %add3A_117 : vector<16xi32> to vector<16x1xi32>
        %gather3A_119 = vector.shape_cast %broadcast_in_dim3A_118 : vector<16x1xi32> to vector<16xi32>
        %gather3A_120 = tpu.dynamic_gather %get3A_98[%gather3A_119] in [0] : vector<16xi32>, vector<16xi32> -> vector<16xi32>
        %gt3A = vector.broadcast %scan3A_112 : i32 to vector<16xi32>
        %gt3A_121 = arith.cmpi sgt, %iota3A, %gt3A : vector<16xi32>
        %eq3A_122 = arith.cmpi eq, %get3A_98, %gather3A_120 : vector<16xi32>
        %and3A = arith.andi %gt3A_121, %eq3A_122 : vector<16xi1>
        %convert_element_type3A_123 = arith.extui %and3A : vector<16xi1> to vector<16xi32>
        %add3A_124 = arith.addi %scan3A_113, %convert_element_type3A_123 : vector<16xi32>
        scf.yield %add3A_124 : vector<16xi32>
      }
      %scan3A_105 = arith.constant 15 : i32
      %add3A_106 = arith.addi %gather3A, %scan3A_104 : vector<16xi32>
      %mul3A_107 = arith.constant 16 : i32
      %mul3A_108 = arith.muli %scan3A_90, %mul3A_107 : i32
      %swap3A = arith.index_cast %mul3A_108 : i32 to index
      %swap3A_109 = tpu.vector_load %arg15[%swap3A] {strides = array<i32>} : memref<64xi32, #tpu.memory_space<vmem>>, vector<16xi32>,
      tpu.vector_store %arg15[%swap3A], %add3A_106 {strides = array<i32>} : memref<64xi32, #tpu.memory_space<vmem>>, vector<16xi32>,
      %broadcast_in_dim3A_110 = arith.constant 1 : i32
      %broadcast_in_dim3A_111 = vector.broadcast %broadcast_in_dim3A_110 : i32 to vector<16xi32>
      tpu.vector_store_idx %arg10[%get3A_98], %broadcast_in_dim3A_111 {add = true} : memref<64xi32, #tpu.memory_space<vmem>>[vector<16xi32>], vector<16xi32>,
    }
    %scan3A_69 = arith.constant 4 : i32
    %dma_start3A_70 = arith.constant 64 : i32
    %dma_start3A_71 = arith.constant 0 : i32
    %dma_start3A_72 = tpu.memref_slice %arg16[%dma_start3A_70, %dma_start3A_71] : memref<128x256xf32, #tpu.memory_space<vmem>> -> memref<64x256xf32, #tpu.memory_space<vmem>>
    %dma_start3A_73 = arith.constant 0 : i32
    %dma_start3A_74 = arith.constant 0 : i32
    %dma_start3A_75 = tpu.memref_slice %arg4[%dma_start3A_73, %dma_start3A_74] : memref<12288x256xf32, #tpu.memory_space<hbm>> -> memref<12288x256xf32, #tpu.memory_space<hbm>>
    tpu.enqueue_indirect_dma source(%dma_start3A_72 : memref<64x256xf32, #tpu.memory_space<vmem>>) target(%dma_start3A_75 : memref<12288x256xf32, #tpu.memory_space<hbm>>) offsets(%arg15 : memref<64xi32, #tpu.memory_space<vmem>>) semaphore(%arg19 : memref<!tpu.dma_semaphore, #tpu.memory_space<semaphore_mem>>)
    "tpu.region"() ({
      %run_scoped3A = tpu.sem_alloc : memref<!tpu.dma_semaphore, #tpu.memory_space<semaphore_mem>>
      %dma_start3A_90 = tpu.memref_slice %arg5[%mul3A_2] : memref<4096xi32, #tpu.memory_space<hbm>> -> memref<64xi32, #tpu.memory_space<hbm>>
      %dma_start3A_91 = tpu.memref_slice %arg5[%mul3A_2] : memref<4096xi32, #tpu.memory_space<hbm>> -> memref<64xi32, #tpu.memory_space<hbm>>
      tpu.enqueue_dma source(%arg14 : memref<64xi32, #tpu.memory_space<vmem>>) target(%dma_start3A_91 : memref<64xi32, #tpu.memory_space<hbm>>) target_semaphore(%run_scoped3A : memref<!tpu.dma_semaphore, #tpu.memory_space<semaphore_mem>>)
      %dma_wait3A_92 = tpu.memref_slice %arg5[%mul3A_2] : memref<4096xi32, #tpu.memory_space<hbm>> -> memref<64xi32, #tpu.memory_space<hbm>>
      %dma_wait3A_93 = tpu.memref_slice %arg5[%mul3A_2] : memref<4096xi32, #tpu.memory_space<hbm>> -> memref<64xi32, #tpu.memory_space<hbm>>
      tpu.wait_dma2 semaphore(%run_scoped3A : memref<!tpu.dma_semaphore, #tpu.memory_space<semaphore_mem>>) src(%arg14 : memref<64xi32, #tpu.memory_space<vmem>>) dst(%dma_wait3A_93 : memref<64xi32, #tpu.memory_space<hbm>>)
      tpu.yield
    }) : () -> ()
    %add3A_76 = arith.constant 64 : i32
    %add3A_77 = arith.addi %mul3A_2, %add3A_76 : i32
    "tpu.region"() ({
      %run_scoped3A = tpu.sem_alloc : memref<!tpu.dma_semaphore, #tpu.memory_space<semaphore_mem>>
      %dma_start3A_90 = tpu.memref_slice %arg5[%add3A_77] : memref<4096xi32, #tpu.memory_space<hbm>> -> memref<64xi32, #tpu.memory_space<hbm>>
      %dma_start3A_91 = tpu.memref_slice %arg5[%add3A_77] : memref<4096xi32, #tpu.memory_space<hbm>> -> memref<64xi32, #tpu.memory_space<hbm>>
      tpu.enqueue_dma source(%arg15 : memref<64xi32, #tpu.memory_space<vmem>>) target(%dma_start3A_91 : memref<64xi32, #tpu.memory_space<hbm>>) target_semaphore(%run_scoped3A : memref<!tpu.dma_semaphore, #tpu.memory_space<semaphore_mem>>)
      %dma_wait3A_92 = tpu.memref_slice %arg5[%add3A_77] : memref<4096xi32, #tpu.memory_space<hbm>> -> memref<64xi32, #tpu.memory_space<hbm>>
      %dma_wait3A_93 = tpu.memref_slice %arg5[%add3A_77] : memref<4096xi32, #tpu.memory_space<hbm>> -> memref<64xi32, #tpu.memory_space<hbm>>
      tpu.wait_dma2 semaphore(%run_scoped3A : memref<!tpu.dma_semaphore, #tpu.memory_space<semaphore_mem>>) src(%arg15 : memref<64xi32, #tpu.memory_space<vmem>>) dst(%dma_wait3A_93 : memref<64xi32, #tpu.memory_space<hbm>>)
      tpu.yield
    }) : () -> ()
    %dma_wait3A_78 = arith.constant 0 : i32
    %dma_wait3A_79 = arith.constant 0 : i32
    %dma_wait3A_80 = tpu.memref_slice %arg16[%dma_wait3A_78, %dma_wait3A_79] : memref<128x256xf32, #tpu.memory_space<vmem>> -> memref<64x256xf32, #tpu.memory_space<vmem>>
    %dma_wait3A_81 = arith.constant 0 : i32
    %dma_wait3A_82 = arith.constant 0 : i32
    %dma_wait3A_83 = tpu.memref_slice %arg4[%dma_wait3A_81, %dma_wait3A_82] : memref<12288x256xf32, #tpu.memory_space<hbm>> -> memref<12288x256xf32, #tpu.memory_space<hbm>>
    tpu.wait_indirect_dma semaphore(%arg18 : memref<!tpu.dma_semaphore, #tpu.memory_space<semaphore_mem>>) src(%dma_wait3A_80 : memref<64x256xf32, #tpu.memory_space<vmem>>) dst(%dma_wait3A_83 : memref<12288x256xf32, #tpu.memory_space<hbm>>)
    %dma_wait3A_84 = arith.constant 64 : i32
    %dma_wait3A_85 = arith.constant 0 : i32
    %dma_wait3A_86 = tpu.memref_slice %arg16[%dma_wait3A_84, %dma_wait3A_85] : memref<128x256xf32, #tpu.memory_space<vmem>> -> memref<64x256xf32, #tpu.memory_space<vmem>>
    %dma_wait3A_87 = arith.constant 0 : i32
    %dma_wait3A_88 = arith.constant 0 : i32
    %dma_wait3A_89 = tpu.memref_slice %arg4[%dma_wait3A_87, %dma_wait3A_88] : memref<12288x256xf32, #tpu.memory_space<hbm>> -> memref<12288x256xf32, #tpu.memory_space<hbm>>
    tpu.wait_indirect_dma semaphore(%arg19 : memref<!tpu.dma_semaphore, #tpu.memory_space<semaphore_mem>>) src(%dma_wait3A_86 : memref<64x256xf32, #tpu.memory_space<vmem>>) dst(%dma_wait3A_89 : memref<12288x256xf32, #tpu.memory_space<hbm>>)
    return
  }
}

module attributes {stable_mosaic.version = 14 : i64} {
  func.func @_mm_body(%arg0: i32, %arg1: memref<112xi32, #tpu.memory_space<smem>>, %arg2: memref<2048x256xf32, #tpu.memory_space<vmem>>, %arg3: memref<1x256x256xf32, #tpu.memory_space<vmem>>, %arg4: memref<1x256x256xf32, #tpu.memory_space<vmem>>, %arg5: memref<1x256x256xf32, #tpu.memory_space<vmem>>, %arg6: memref<1x256x256xf32, #tpu.memory_space<vmem>>, %arg7: memref<1x256x256xf32, #tpu.memory_space<vmem>>, %arg8: memref<1x256x256xf32, #tpu.memory_space<vmem>>, %arg9: memref<1x256x256xf32, #tpu.memory_space<vmem>>, %arg10: memref<1x256x256xf32, #tpu.memory_space<vmem>>, %arg11: memref<1x256x256xf32, #tpu.memory_space<vmem>>, %arg12: memref<1x256x256xf32, #tpu.memory_space<vmem>>, %arg13: memref<1x256x256xf32, #tpu.memory_space<vmem>>, %arg14: memref<1x256x256xf32, #tpu.memory_space<vmem>>, %arg15: memref<1x256x256xf32, #tpu.memory_space<vmem>>, %arg16: memref<1x256x256xf32, #tpu.memory_space<vmem>>, %arg17: memref<1x256x256xf32, #tpu.memory_space<vmem>>, %arg18: memref<1x256x256xf32, #tpu.memory_space<vmem>>, %arg19: memref<2048x256xf32, #tpu.memory_space<vmem>>) attributes {dimension_semantics = [#tpu.dimension_semantics<arbitrary>], iteration_bounds = array<i64: 6>, scalar_prefetch = 1 : i64, scratch_operands = 0 : i64, tpu.core_type = #tpu.core_type<tc>, window_params = [{transform_indices = @transform_0, window_bounds = array<i64: 2048, 256>}, {transform_indices = @transform_1, window_bounds = array<i64: 1, 256, 256>}, {transform_indices = @transform_2, window_bounds = array<i64: 1, 256, 256>}, {transform_indices = @transform_3, window_bounds = array<i64: 1, 256, 256>}, {transform_indices = @transform_4, window_bounds = array<i64: 1, 256, 256>}, {transform_indices = @transform_5, window_bounds = array<i64: 1, 256, 256>}, {transform_indices = @transform_6, window_bounds = array<i64: 1, 256, 256>}, {transform_indices = @transform_7, window_bounds = array<i64: 1, 256, 256>}, {transform_indices = @transform_8, window_bounds = array<i64: 1, 256, 256>}, {transform_indices = @transform_9, window_bounds = array<i64: 1, 256, 256>}, {transform_indices = @transform_10, window_bounds = array<i64: 1, 256, 256>}, {transform_indices = @transform_11, window_bounds = array<i64: 1, 256, 256>}, {transform_indices = @transform_12, window_bounds = array<i64: 1, 256, 256>}, {transform_indices = @transform_13, window_bounds = array<i64: 1, 256, 256>}, {transform_indices = @transform_14, window_bounds = array<i64: 1, 256, 256>}, {transform_indices = @transform_15, window_bounds = array<i64: 1, 256, 256>}, {transform_indices = @transform_16, window_bounds = array<i64: 1, 256, 256>}, {transform_indices = @transform_17, window_bounds = array<i64: 2048, 256>}]} {
    %get3A = arith.constant 96 : index
    %get3A_0 = memref.load %arg1[%get3A] : memref<112xi32, #tpu.memory_space<smem>>
    %le3A = arith.cmpi sle, %arg0, %get3A_0 : i32
    %convert_element_type3A = arith.extui %le3A : i1 to i32
    %cond3A = arith.constant 0 : i32
    %cond3A_1 = arith.cmpi ne, %convert_element_type3A, %cond3A : i32
    scf.if %cond3A_1 {
      %get3A_2 = arith.constant 0 : index
      %get3A_3 = arith.constant 0 : index
      %get3A_4 = vector.load %arg2[%get3A_2, %get3A_3] : memref<2048x256xf32, #tpu.memory_space<vmem>>, vector<128x256xf32>
      %get3A_5 = arith.constant 0 : index
      %get3A_6 = arith.constant 0 : index
      %get3A_7 = arith.constant 0 : index
      %get3A_8 = vector.load %arg3[%get3A_5, %get3A_6, %get3A_7] : memref<1x256x256xf32, #tpu.memory_space<vmem>>, vector<1x256x256xf32>
      %get3A_9 = vector.shape_cast %get3A_8 : vector<1x256x256xf32> to vector<256x256xf32>
      %dot_general3A = arith.constant dense<0.000000e+00> : vector<128x256xf32>
      %dot_general3A_10 = tpu.matmul %get3A_4, %get3A_9, %dot_general3A {dimension_numbers = #tpu.dot_dimension_numbers<[1], [1], [0], [0], [0, 0, 1, 0], [], []>, transpose_lhs_hint = false} : vector<128x256xf32>, vector<256x256xf32>, vector<128x256xf32> -> vector<128x256xf32>
      %swap3A = arith.constant 0 : index
      %swap3A_11 = arith.constant 0 : index
      %swap3A_12 = vector.load %arg19[%swap3A, %swap3A_11] : memref<2048x256xf32, #tpu.memory_space<vmem>>, vector<128x256xf32>
      tpu.vector_store %arg19[%swap3A, %swap3A_11], %dot_general3A_10 {strides = array<i32>} : memref<2048x256xf32, #tpu.memory_space<vmem>>, vector<128x256xf32>,
      %get3A_13 = arith.constant 128 : index
      %get3A_14 = arith.constant 0 : index
      %get3A_15 = vector.load %arg2[%get3A_13, %get3A_14] : memref<2048x256xf32, #tpu.memory_space<vmem>>, vector<128x256xf32>
      %get3A_16 = arith.constant 0 : index
      %get3A_17 = arith.constant 0 : index
      %get3A_18 = arith.constant 0 : index
      %get3A_19 = vector.load %arg4[%get3A_16, %get3A_17, %get3A_18] : memref<1x256x256xf32, #tpu.memory_space<vmem>>, vector<1x256x256xf32>
      %get3A_20 = vector.shape_cast %get3A_19 : vector<1x256x256xf32> to vector<256x256xf32>
      %dot_general3A_21 = arith.constant dense<0.000000e+00> : vector<128x256xf32>
      %dot_general3A_22 = tpu.matmul %get3A_15, %get3A_20, %dot_general3A_21 {dimension_numbers = #tpu.dot_dimension_numbers<[1], [1], [0], [0], [0, 0, 1, 0], [], []>, transpose_lhs_hint = false} : vector<128x256xf32>, vector<256x256xf32>, vector<128x256xf32> -> vector<128x256xf32>
      %swap3A_23 = arith.constant 128 : index
      %swap3A_24 = arith.constant 0 : index
      %swap3A_25 = vector.load %arg19[%swap3A_23, %swap3A_24] : memref<2048x256xf32, #tpu.memory_space<vmem>>, vector<128x256xf32>
      tpu.vector_store %arg19[%swap3A_23, %swap3A_24], %dot_general3A_22 {strides = array<i32>} : memref<2048x256xf32, #tpu.memory_space<vmem>>, vector<128x256xf32>,
      %get3A_26 = arith.constant 256 : index
      %get3A_27 = arith.constant 0 : index
      %get3A_28 = vector.load %arg2[%get3A_26, %get3A_27] : memref<2048x256xf32, #tpu.memory_space<vmem>>, vector<128x256xf32>
      %get3A_29 = arith.constant 0 : index
      %get3A_30 = arith.constant 0 : index
      %get3A_31 = arith.constant 0 : index
      %get3A_32 = vector.load %arg5[%get3A_29, %get3A_30, %get3A_31] : memref<1x256x256xf32, #tpu.memory_space<vmem>>, vector<1x256x256xf32>
      %get3A_33 = vector.shape_cast %get3A_32 : vector<1x256x256xf32> to vector<256x256xf32>
      %dot_general3A_34 = arith.constant dense<0.000000e+00> : vector<128x256xf32>
      %dot_general3A_35 = tpu.matmul %get3A_28, %get3A_33, %dot_general3A_34 {dimension_numbers = #tpu.dot_dimension_numbers<[1], [1], [0], [0], [0, 0, 1, 0], [], []>, transpose_lhs_hint = false} : vector<128x256xf32>, vector<256x256xf32>, vector<128x256xf32> -> vector<128x256xf32>
      %swap3A_36 = arith.constant 256 : index
      %swap3A_37 = arith.constant 0 : index
      %swap3A_38 = vector.load %arg19[%swap3A_36, %swap3A_37] : memref<2048x256xf32, #tpu.memory_space<vmem>>, vector<128x256xf32>
      tpu.vector_store %arg19[%swap3A_36, %swap3A_37], %dot_general3A_35 {strides = array<i32>} : memref<2048x256xf32, #tpu.memory_space<vmem>>, vector<128x256xf32>,
      %get3A_39 = arith.constant 384 : index
      %get3A_40 = arith.constant 0 : index
      %get3A_41 = vector.load %arg2[%get3A_39, %get3A_40] : memref<2048x256xf32, #tpu.memory_space<vmem>>, vector<128x256xf32>
      %get3A_42 = arith.constant 0 : index
      %get3A_43 = arith.constant 0 : index
      %get3A_44 = arith.constant 0 : index
      %get3A_45 = vector.load %arg6[%get3A_42, %get3A_43, %get3A_44] : memref<1x256x256xf32, #tpu.memory_space<vmem>>, vector<1x256x256xf32>
      %get3A_46 = vector.shape_cast %get3A_45 : vector<1x256x256xf32> to vector<256x256xf32>
      %dot_general3A_47 = arith.constant dense<0.000000e+00> : vector<128x256xf32>
      %dot_general3A_48 = tpu.matmul %get3A_41, %get3A_46, %dot_general3A_47 {dimension_numbers = #tpu.dot_dimension_numbers<[1], [1], [0], [0], [0, 0, 1, 0], [], []>, transpose_lhs_hint = false} : vector<128x256xf32>, vector<256x256xf32>, vector<128x256xf32> -> vector<128x256xf32>
      %swap3A_49 = arith.constant 384 : index
      %swap3A_50 = arith.constant 0 : index
      %swap3A_51 = vector.load %arg19[%swap3A_49, %swap3A_50] : memref<2048x256xf32, #tpu.memory_space<vmem>>, vector<128x256xf32>
      tpu.vector_store %arg19[%swap3A_49, %swap3A_50], %dot_general3A_48 {strides = array<i32>} : memref<2048x256xf32, #tpu.memory_space<vmem>>, vector<128x256xf32>,
      %get3A_52 = arith.constant 512 : index
      %get3A_53 = arith.constant 0 : index
      %get3A_54 = vector.load %arg2[%get3A_52, %get3A_53] : memref<2048x256xf32, #tpu.memory_space<vmem>>, vector<128x256xf32>
      %get3A_55 = arith.constant 0 : index
      %get3A_56 = arith.constant 0 : index
      %get3A_57 = arith.constant 0 : index
      %get3A_58 = vector.load %arg7[%get3A_55, %get3A_56, %get3A_57] : memref<1x256x256xf32, #tpu.memory_space<vmem>>, vector<1x256x256xf32>
      %get3A_59 = vector.shape_cast %get3A_58 : vector<1x256x256xf32> to vector<256x256xf32>
      %dot_general3A_60 = arith.constant dense<0.000000e+00> : vector<128x256xf32>
      %dot_general3A_61 = tpu.matmul %get3A_54, %get3A_59, %dot_general3A_60 {dimension_numbers = #tpu.dot_dimension_numbers<[1], [1], [0], [0], [0, 0, 1, 0], [], []>, transpose_lhs_hint = false} : vector<128x256xf32>, vector<256x256xf32>, vector<128x256xf32> -> vector<128x256xf32>
      %swap3A_62 = arith.constant 512 : index
      %swap3A_63 = arith.constant 0 : index
      %swap3A_64 = vector.load %arg19[%swap3A_62, %swap3A_63] : memref<2048x256xf32, #tpu.memory_space<vmem>>, vector<128x256xf32>
      tpu.vector_store %arg19[%swap3A_62, %swap3A_63], %dot_general3A_61 {strides = array<i32>} : memref<2048x256xf32, #tpu.memory_space<vmem>>, vector<128x256xf32>,
      %get3A_65 = arith.constant 640 : index
      %get3A_66 = arith.constant 0 : index
      %get3A_67 = vector.load %arg2[%get3A_65, %get3A_66] : memref<2048x256xf32, #tpu.memory_space<vmem>>, vector<128x256xf32>
      %get3A_68 = arith.constant 0 : index
      %get3A_69 = arith.constant 0 : index
      %get3A_70 = arith.constant 0 : index
      %get3A_71 = vector.load %arg8[%get3A_68, %get3A_69, %get3A_70] : memref<1x256x256xf32, #tpu.memory_space<vmem>>, vector<1x256x256xf32>
      %get3A_72 = vector.shape_cast %get3A_71 : vector<1x256x256xf32> to vector<256x256xf32>
      %dot_general3A_73 = arith.constant dense<0.000000e+00> : vector<128x256xf32>
      %dot_general3A_74 = tpu.matmul %get3A_67, %get3A_72, %dot_general3A_73 {dimension_numbers = #tpu.dot_dimension_numbers<[1], [1], [0], [0], [0, 0, 1, 0], [], []>, transpose_lhs_hint = false} : vector<128x256xf32>, vector<256x256xf32>, vector<128x256xf32> -> vector<128x256xf32>
      %swap3A_75 = arith.constant 640 : index
      %swap3A_76 = arith.constant 0 : index
      %swap3A_77 = vector.load %arg19[%swap3A_75, %swap3A_76] : memref<2048x256xf32, #tpu.memory_space<vmem>>, vector<128x256xf32>
      tpu.vector_store %arg19[%swap3A_75, %swap3A_76], %dot_general3A_74 {strides = array<i32>} : memref<2048x256xf32, #tpu.memory_space<vmem>>, vector<128x256xf32>,
      %get3A_78 = arith.constant 768 : index
      %get3A_79 = arith.constant 0 : index
      %get3A_80 = vector.load %arg2[%get3A_78, %get3A_79] : memref<2048x256xf32, #tpu.memory_space<vmem>>, vector<128x256xf32>
      %get3A_81 = arith.constant 0 : index
      %get3A_82 = arith.constant 0 : index
      %get3A_83 = arith.constant 0 : index
      %get3A_84 = vector.load %arg9[%get3A_81, %get3A_82, %get3A_83] : memref<1x256x256xf32, #tpu.memory_space<vmem>>, vector<1x256x256xf32>
      %get3A_85 = vector.shape_cast %get3A_84 : vector<1x256x256xf32> to vector<256x256xf32>
      %dot_general3A_86 = arith.constant dense<0.000000e+00> : vector<128x256xf32>
      %dot_general3A_87 = tpu.matmul %get3A_80, %get3A_85, %dot_general3A_86 {dimension_numbers = #tpu.dot_dimension_numbers<[1], [1], [0], [0], [0, 0, 1, 0], [], []>, transpose_lhs_hint = false} : vector<128x256xf32>, vector<256x256xf32>, vector<128x256xf32> -> vector<128x256xf32>
      %swap3A_88 = arith.constant 768 : index
      %swap3A_89 = arith.constant 0 : index
      %swap3A_90 = vector.load %arg19[%swap3A_88, %swap3A_89] : memref<2048x256xf32, #tpu.memory_space<vmem>>, vector<128x256xf32>
      tpu.vector_store %arg19[%swap3A_88, %swap3A_89], %dot_general3A_87 {strides = array<i32>} : memref<2048x256xf32, #tpu.memory_space<vmem>>, vector<128x256xf32>,
      %get3A_91 = arith.constant 896 : index
      %get3A_92 = arith.constant 0 : index
      %get3A_93 = vector.load %arg2[%get3A_91, %get3A_92] : memref<2048x256xf32, #tpu.memory_space<vmem>>, vector<128x256xf32>
      %get3A_94 = arith.constant 0 : index
      %get3A_95 = arith.constant 0 : index
      %get3A_96 = arith.constant 0 : index
      %get3A_97 = vector.load %arg10[%get3A_94, %get3A_95, %get3A_96] : memref<1x256x256xf32, #tpu.memory_space<vmem>>, vector<1x256x256xf32>
      %get3A_98 = vector.shape_cast %get3A_97 : vector<1x256x256xf32> to vector<256x256xf32>
      %dot_general3A_99 = arith.constant dense<0.000000e+00> : vector<128x256xf32>
      %dot_general3A_100 = tpu.matmul %get3A_93, %get3A_98, %dot_general3A_99 {dimension_numbers = #tpu.dot_dimension_numbers<[1], [1], [0], [0], [0, 0, 1, 0], [], []>, transpose_lhs_hint = false} : vector<128x256xf32>, vector<256x256xf32>, vector<128x256xf32> -> vector<128x256xf32>
      %swap3A_101 = arith.constant 896 : index
      %swap3A_102 = arith.constant 0 : index
      %swap3A_103 = vector.load %arg19[%swap3A_101, %swap3A_102] : memref<2048x256xf32, #tpu.memory_space<vmem>>, vector<128x256xf32>
      tpu.vector_store %arg19[%swap3A_101, %swap3A_102], %dot_general3A_100 {strides = array<i32>} : memref<2048x256xf32, #tpu.memory_space<vmem>>, vector<128x256xf32>,
      %get3A_104 = arith.constant 1024 : index
      %get3A_105 = arith.constant 0 : index
      %get3A_106 = vector.load %arg2[%get3A_104, %get3A_105] : memref<2048x256xf32, #tpu.memory_space<vmem>>, vector<128x256xf32>
      %get3A_107 = arith.constant 0 : index
      %get3A_108 = arith.constant 0 : index
      %get3A_109 = arith.constant 0 : index
      %get3A_110 = vector.load %arg11[%get3A_107, %get3A_108, %get3A_109] : memref<1x256x256xf32, #tpu.memory_space<vmem>>, vector<1x256x256xf32>
      %get3A_111 = vector.shape_cast %get3A_110 : vector<1x256x256xf32> to vector<256x256xf32>
      %dot_general3A_112 = arith.constant dense<0.000000e+00> : vector<128x256xf32>
      %dot_general3A_113 = tpu.matmul %get3A_106, %get3A_111, %dot_general3A_112 {dimension_numbers = #tpu.dot_dimension_numbers<[1], [1], [0], [0], [0, 0, 1, 0], [], []>, transpose_lhs_hint = false} : vector<128x256xf32>, vector<256x256xf32>, vector<128x256xf32> -> vector<128x256xf32>
      %swap3A_114 = arith.constant 1024 : index
      %swap3A_115 = arith.constant 0 : index
      %swap3A_116 = vector.load %arg19[%swap3A_114, %swap3A_115] : memref<2048x256xf32, #tpu.memory_space<vmem>>, vector<128x256xf32>
      tpu.vector_store %arg19[%swap3A_114, %swap3A_115], %dot_general3A_113 {strides = array<i32>} : memref<2048x256xf32, #tpu.memory_space<vmem>>, vector<128x256xf32>,
      %get3A_117 = arith.constant 1152 : index
      %get3A_118 = arith.constant 0 : index
      %get3A_119 = vector.load %arg2[%get3A_117, %get3A_118] : memref<2048x256xf32, #tpu.memory_space<vmem>>, vector<128x256xf32>
      %get3A_120 = arith.constant 0 : index
      %get3A_121 = arith.constant 0 : index
      %get3A_122 = arith.constant 0 : index
      %get3A_123 = vector.load %arg12[%get3A_120, %get3A_121, %get3A_122] : memref<1x256x256xf32, #tpu.memory_space<vmem>>, vector<1x256x256xf32>
      %get3A_124 = vector.shape_cast %get3A_123 : vector<1x256x256xf32> to vector<256x256xf32>
      %dot_general3A_125 = arith.constant dense<0.000000e+00> : vector<128x256xf32>
      %dot_general3A_126 = tpu.matmul %get3A_119, %get3A_124, %dot_general3A_125 {dimension_numbers = #tpu.dot_dimension_numbers<[1], [1], [0], [0], [0, 0, 1, 0], [], []>, transpose_lhs_hint = false} : vector<128x256xf32>, vector<256x256xf32>, vector<128x256xf32> -> vector<128x256xf32>
      %swap3A_127 = arith.constant 1152 : index
      %swap3A_128 = arith.constant 0 : index
      %swap3A_129 = vector.load %arg19[%swap3A_127, %swap3A_128] : memref<2048x256xf32, #tpu.memory_space<vmem>>, vector<128x256xf32>
      tpu.vector_store %arg19[%swap3A_127, %swap3A_128], %dot_general3A_126 {strides = array<i32>} : memref<2048x256xf32, #tpu.memory_space<vmem>>, vector<128x256xf32>,
      %get3A_130 = arith.constant 1280 : index
      %get3A_131 = arith.constant 0 : index
      %get3A_132 = vector.load %arg2[%get3A_130, %get3A_131] : memref<2048x256xf32, #tpu.memory_space<vmem>>, vector<128x256xf32>
      %get3A_133 = arith.constant 0 : index
      %get3A_134 = arith.constant 0 : index
      %get3A_135 = arith.constant 0 : index
      %get3A_136 = vector.load %arg13[%get3A_133, %get3A_134, %get3A_135] : memref<1x256x256xf32, #tpu.memory_space<vmem>>, vector<1x256x256xf32>
      %get3A_137 = vector.shape_cast %get3A_136 : vector<1x256x256xf32> to vector<256x256xf32>
      %dot_general3A_138 = arith.constant dense<0.000000e+00> : vector<128x256xf32>
      %dot_general3A_139 = tpu.matmul %get3A_132, %get3A_137, %dot_general3A_138 {dimension_numbers = #tpu.dot_dimension_numbers<[1], [1], [0], [0], [0, 0, 1, 0], [], []>, transpose_lhs_hint = false} : vector<128x256xf32>, vector<256x256xf32>, vector<128x256xf32> -> vector<128x256xf32>
      %swap3A_140 = arith.constant 1280 : index
      %swap3A_141 = arith.constant 0 : index
      %swap3A_142 = vector.load %arg19[%swap3A_140, %swap3A_141] : memref<2048x256xf32, #tpu.memory_space<vmem>>, vector<128x256xf32>
      tpu.vector_store %arg19[%swap3A_140, %swap3A_141], %dot_general3A_139 {strides = array<i32>} : memref<2048x256xf32, #tpu.memory_space<vmem>>, vector<128x256xf32>,
      %get3A_143 = arith.constant 1408 : index
      %get3A_144 = arith.constant 0 : index
      %get3A_145 = vector.load %arg2[%get3A_143, %get3A_144] : memref<2048x256xf32, #tpu.memory_space<vmem>>, vector<128x256xf32>
      %get3A_146 = arith.constant 0 : index
      %get3A_147 = arith.constant 0 : index
      %get3A_148 = arith.constant 0 : index
      %get3A_149 = vector.load %arg14[%get3A_146, %get3A_147, %get3A_148] : memref<1x256x256xf32, #tpu.memory_space<vmem>>, vector<1x256x256xf32>
      %get3A_150 = vector.shape_cast %get3A_149 : vector<1x256x256xf32> to vector<256x256xf32>
      %dot_general3A_151 = arith.constant dense<0.000000e+00> : vector<128x256xf32>
      %dot_general3A_152 = tpu.matmul %get3A_145, %get3A_150, %dot_general3A_151 {dimension_numbers = #tpu.dot_dimension_numbers<[1], [1], [0], [0], [0, 0, 1, 0], [], []>, transpose_lhs_hint = false} : vector<128x256xf32>, vector<256x256xf32>, vector<128x256xf32> -> vector<128x256xf32>
      %swap3A_153 = arith.constant 1408 : index
      %swap3A_154 = arith.constant 0 : index
      %swap3A_155 = vector.load %arg19[%swap3A_153, %swap3A_154] : memref<2048x256xf32, #tpu.memory_space<vmem>>, vector<128x256xf32>
      tpu.vector_store %arg19[%swap3A_153, %swap3A_154], %dot_general3A_152 {strides = array<i32>} : memref<2048x256xf32, #tpu.memory_space<vmem>>, vector<128x256xf32>,
      %get3A_156 = arith.constant 1536 : index
      %get3A_157 = arith.constant 0 : index
      %get3A_158 = vector.load %arg2[%get3A_156, %get3A_157] : memref<2048x256xf32, #tpu.memory_space<vmem>>, vector<128x256xf32>
      %get3A_159 = arith.constant 0 : index
      %get3A_160 = arith.constant 0 : index
      %get3A_161 = arith.constant 0 : index
      %get3A_162 = vector.load %arg15[%get3A_159, %get3A_160, %get3A_161] : memref<1x256x256xf32, #tpu.memory_space<vmem>>, vector<1x256x256xf32>
      %get3A_163 = vector.shape_cast %get3A_162 : vector<1x256x256xf32> to vector<256x256xf32>
      %dot_general3A_164 = arith.constant dense<0.000000e+00> : vector<128x256xf32>
      %dot_general3A_165 = tpu.matmul %get3A_158, %get3A_163, %dot_general3A_164 {dimension_numbers = #tpu.dot_dimension_numbers<[1], [1], [0], [0], [0, 0, 1, 0], [], []>, transpose_lhs_hint = false} : vector<128x256xf32>, vector<256x256xf32>, vector<128x256xf32> -> vector<128x256xf32>
      %swap3A_166 = arith.constant 1536 : index
      %swap3A_167 = arith.constant 0 : index
      %swap3A_168 = vector.load %arg19[%swap3A_166, %swap3A_167] : memref<2048x256xf32, #tpu.memory_space<vmem>>, vector<128x256xf32>
      tpu.vector_store %arg19[%swap3A_166, %swap3A_167], %dot_general3A_165 {strides = array<i32>} : memref<2048x256xf32, #tpu.memory_space<vmem>>, vector<128x256xf32>,
      %get3A_169 = arith.constant 1664 : index
      %get3A_170 = arith.constant 0 : index
      %get3A_171 = vector.load %arg2[%get3A_169, %get3A_170] : memref<2048x256xf32, #tpu.memory_space<vmem>>, vector<128x256xf32>
      %get3A_172 = arith.constant 0 : index
      %get3A_173 = arith.constant 0 : index
      %get3A_174 = arith.constant 0 : index
      %get3A_175 = vector.load %arg16[%get3A_172, %get3A_173, %get3A_174] : memref<1x256x256xf32, #tpu.memory_space<vmem>>, vector<1x256x256xf32>
      %get3A_176 = vector.shape_cast %get3A_175 : vector<1x256x256xf32> to vector<256x256xf32>
      %dot_general3A_177 = arith.constant dense<0.000000e+00> : vector<128x256xf32>
      %dot_general3A_178 = tpu.matmul %get3A_171, %get3A_176, %dot_general3A_177 {dimension_numbers = #tpu.dot_dimension_numbers<[1], [1], [0], [0], [0, 0, 1, 0], [], []>, transpose_lhs_hint = false} : vector<128x256xf32>, vector<256x256xf32>, vector<128x256xf32> -> vector<128x256xf32>
      %swap3A_179 = arith.constant 1664 : index
      %swap3A_180 = arith.constant 0 : index
      %swap3A_181 = vector.load %arg19[%swap3A_179, %swap3A_180] : memref<2048x256xf32, #tpu.memory_space<vmem>>, vector<128x256xf32>
      tpu.vector_store %arg19[%swap3A_179, %swap3A_180], %dot_general3A_178 {strides = array<i32>} : memref<2048x256xf32, #tpu.memory_space<vmem>>, vector<128x256xf32>,
      %get3A_182 = arith.constant 1792 : index
      %get3A_183 = arith.constant 0 : index
      %get3A_184 = vector.load %arg2[%get3A_182, %get3A_183] : memref<2048x256xf32, #tpu.memory_space<vmem>>, vector<128x256xf32>
      %get3A_185 = arith.constant 0 : index
      %get3A_186 = arith.constant 0 : index
      %get3A_187 = arith.constant 0 : index
      %get3A_188 = vector.load %arg17[%get3A_185, %get3A_186, %get3A_187] : memref<1x256x256xf32, #tpu.memory_space<vmem>>, vector<1x256x256xf32>
      %get3A_189 = vector.shape_cast %get3A_188 : vector<1x256x256xf32> to vector<256x256xf32>
      %dot_general3A_190 = arith.constant dense<0.000000e+00> : vector<128x256xf32>
      %dot_general3A_191 = tpu.matmul %get3A_184, %get3A_189, %dot_general3A_190 {dimension_numbers = #tpu.dot_dimension_numbers<[1], [1], [0], [0], [0, 0, 1, 0], [], []>, transpose_lhs_hint = false} : vector<128x256xf32>, vector<256x256xf32>, vector<128x256xf32> -> vector<128x256xf32>
      %swap3A_192 = arith.constant 1792 : index
      %swap3A_193 = arith.constant 0 : index
      %swap3A_194 = vector.load %arg19[%swap3A_192, %swap3A_193] : memref<2048x256xf32, #tpu.memory_space<vmem>>, vector<128x256xf32>
      tpu.vector_store %arg19[%swap3A_192, %swap3A_193], %dot_general3A_191 {strides = array<i32>} : memref<2048x256xf32, #tpu.memory_space<vmem>>, vector<128x256xf32>,
      %get3A_195 = arith.constant 1920 : index
      %get3A_196 = arith.constant 0 : index
      %get3A_197 = vector.load %arg2[%get3A_195, %get3A_196] : memref<2048x256xf32, #tpu.memory_space<vmem>>, vector<128x256xf32>
      %get3A_198 = arith.constant 0 : index
      %get3A_199 = arith.constant 0 : index
      %get3A_200 = arith.constant 0 : index
      %get3A_201 = vector.load %arg18[%get3A_198, %get3A_199, %get3A_200] : memref<1x256x256xf32, #tpu.memory_space<vmem>>, vector<1x256x256xf32>
      %get3A_202 = vector.shape_cast %get3A_201 : vector<1x256x256xf32> to vector<256x256xf32>
      %dot_general3A_203 = arith.constant dense<0.000000e+00> : vector<128x256xf32>
      %dot_general3A_204 = tpu.matmul %get3A_197, %get3A_202, %dot_general3A_203 {dimension_numbers = #tpu.dot_dimension_numbers<[1], [1], [0], [0], [0, 0, 1, 0], [], []>, transpose_lhs_hint = false} : vector<128x256xf32>, vector<256x256xf32>, vector<128x256xf32> -> vector<128x256xf32>
      %swap3A_205 = arith.constant 1920 : index
      %swap3A_206 = arith.constant 0 : index
      %swap3A_207 = vector.load %arg19[%swap3A_205, %swap3A_206] : memref<2048x256xf32, #tpu.memory_space<vmem>>, vector<128x256xf32>
      tpu.vector_store %arg19[%swap3A_205, %swap3A_206], %dot_general3A_204 {strides = array<i32>} : memref<2048x256xf32, #tpu.memory_space<vmem>>, vector<128x256xf32>,
    } else {
    }
    return
  }
  func.func @transform_0(%arg0: i32, %arg1: memref<112xi32, #tpu.memory_space<smem>>) -> (i32, i32) {
    %get3A = arith.constant 96 : index
    %get3A_0 = memref.load %arg1[%get3A] : memref<112xi32, #tpu.memory_space<smem>>
    %min3A = arith.minsi %arg0, %get3A_0 : i32
    %c0_i32 = arith.constant 0 : i32
    %c0_i32_1 = arith.constant 0 : i32
    return %min3A, %c0_i32 : i32, i32
  }
  func.func @transform_1(%arg0: i32, %arg1: memref<112xi32, #tpu.memory_space<smem>>) -> (i32, i32, i32) {
    %get3A = arith.constant 96 : index
    %get3A_0 = memref.load %arg1[%get3A] : memref<112xi32, #tpu.memory_space<smem>>
    %min3A = arith.minsi %arg0, %get3A_0 : i32
    %mul3A = arith.constant 16 : i32
    %mul3A_1 = arith.muli %min3A, %mul3A : i32
    %add3A = arith.constant 0 : i32
    %add3A_2 = arith.addi %mul3A_1, %add3A : i32
    %get3A_3 = arith.index_cast %add3A_2 : i32 to index
    %get3A_4 = memref.load %arg1[%get3A_3] : memref<112xi32, #tpu.memory_space<smem>>
    %c0_i32 = arith.constant 0 : i32
    %c0_i32_5 = arith.constant 0 : i32
    %c0_i32_6 = arith.constant 0 : i32
    return %get3A_4, %c0_i32, %c0_i32_5 : i32, i32, i32
  }
  func.func @transform_2(%arg0: i32, %arg1: memref<112xi32, #tpu.memory_space<smem>>) -> (i32, i32, i32) {
    %get3A = arith.constant 96 : index
    %get3A_0 = memref.load %arg1[%get3A] : memref<112xi32, #tpu.memory_space<smem>>
    %min3A = arith.minsi %arg0, %get3A_0 : i32
    %mul3A = arith.constant 16 : i32
    %mul3A_1 = arith.muli %min3A, %mul3A : i32
    %add3A = arith.constant 1 : i32
    %add3A_2 = arith.addi %mul3A_1, %add3A : i32
    %get3A_3 = arith.index_cast %add3A_2 : i32 to index
    %get3A_4 = memref.load %arg1[%get3A_3] : memref<112xi32, #tpu.memory_space<smem>>
    %c0_i32 = arith.constant 0 : i32
    %c0_i32_5 = arith.constant 0 : i32
    %c0_i32_6 = arith.constant 0 : i32
    return %get3A_4, %c0_i32, %c0_i32_5 : i32, i32, i32
  }
  func.func @transform_3(%arg0: i32, %arg1: memref<112xi32, #tpu.memory_space<smem>>) -> (i32, i32, i32) {
    %get3A = arith.constant 96 : index
    %get3A_0 = memref.load %arg1[%get3A] : memref<112xi32, #tpu.memory_space<smem>>
    %min3A = arith.minsi %arg0, %get3A_0 : i32
    %mul3A = arith.constant 16 : i32
    %mul3A_1 = arith.muli %min3A, %mul3A : i32
    %add3A = arith.constant 2 : i32
    %add3A_2 = arith.addi %mul3A_1, %add3A : i32
    %get3A_3 = arith.index_cast %add3A_2 : i32 to index
    %get3A_4 = memref.load %arg1[%get3A_3] : memref<112xi32, #tpu.memory_space<smem>>
    %c0_i32 = arith.constant 0 : i32
    %c0_i32_5 = arith.constant 0 : i32
    %c0_i32_6 = arith.constant 0 : i32
    return %get3A_4, %c0_i32, %c0_i32_5 : i32, i32, i32
  }
  func.func @transform_4(%arg0: i32, %arg1: memref<112xi32, #tpu.memory_space<smem>>) -> (i32, i32, i32) {
    %get3A = arith.constant 96 : index
    %get3A_0 = memref.load %arg1[%get3A] : memref<112xi32, #tpu.memory_space<smem>>
    %min3A = arith.minsi %arg0, %get3A_0 : i32
    %mul3A = arith.constant 16 : i32
    %mul3A_1 = arith.muli %min3A, %mul3A : i32
    %add3A = arith.constant 3 : i32
    %add3A_2 = arith.addi %mul3A_1, %add3A : i32
    %get3A_3 = arith.index_cast %add3A_2 : i32 to index
    %get3A_4 = memref.load %arg1[%get3A_3] : memref<112xi32, #tpu.memory_space<smem>>
    %c0_i32 = arith.constant 0 : i32
    %c0_i32_5 = arith.constant 0 : i32
    %c0_i32_6 = arith.constant 0 : i32
    return %get3A_4, %c0_i32, %c0_i32_5 : i32, i32, i32
  }
  func.func @transform_5(%arg0: i32, %arg1: memref<112xi32, #tpu.memory_space<smem>>) -> (i32, i32, i32) {
    %get3A = arith.constant 96 : index
    %get3A_0 = memref.load %arg1[%get3A] : memref<112xi32, #tpu.memory_space<smem>>
    %min3A = arith.minsi %arg0, %get3A_0 : i32
    %mul3A = arith.constant 16 : i32
    %mul3A_1 = arith.muli %min3A, %mul3A : i32
    %add3A = arith.constant 4 : i32
    %add3A_2 = arith.addi %mul3A_1, %add3A : i32
    %get3A_3 = arith.index_cast %add3A_2 : i32 to index
    %get3A_4 = memref.load %arg1[%get3A_3] : memref<112xi32, #tpu.memory_space<smem>>
    %c0_i32 = arith.constant 0 : i32
    %c0_i32_5 = arith.constant 0 : i32
    %c0_i32_6 = arith.constant 0 : i32
    return %get3A_4, %c0_i32, %c0_i32_5 : i32, i32, i32
  }
  func.func @transform_6(%arg0: i32, %arg1: memref<112xi32, #tpu.memory_space<smem>>) -> (i32, i32, i32) {
    %get3A = arith.constant 96 : index
    %get3A_0 = memref.load %arg1[%get3A] : memref<112xi32, #tpu.memory_space<smem>>
    %min3A = arith.minsi %arg0, %get3A_0 : i32
    %mul3A = arith.constant 16 : i32
    %mul3A_1 = arith.muli %min3A, %mul3A : i32
    %add3A = arith.constant 5 : i32
    %add3A_2 = arith.addi %mul3A_1, %add3A : i32
    %get3A_3 = arith.index_cast %add3A_2 : i32 to index
    %get3A_4 = memref.load %arg1[%get3A_3] : memref<112xi32, #tpu.memory_space<smem>>
    %c0_i32 = arith.constant 0 : i32
    %c0_i32_5 = arith.constant 0 : i32
    %c0_i32_6 = arith.constant 0 : i32
    return %get3A_4, %c0_i32, %c0_i32_5 : i32, i32, i32
  }
  func.func @transform_7(%arg0: i32, %arg1: memref<112xi32, #tpu.memory_space<smem>>) -> (i32, i32, i32) {
    %get3A = arith.constant 96 : index
    %get3A_0 = memref.load %arg1[%get3A] : memref<112xi32, #tpu.memory_space<smem>>
    %min3A = arith.minsi %arg0, %get3A_0 : i32
    %mul3A = arith.constant 16 : i32
    %mul3A_1 = arith.muli %min3A, %mul3A : i32
    %add3A = arith.constant 6 : i32
    %add3A_2 = arith.addi %mul3A_1, %add3A : i32
    %get3A_3 = arith.index_cast %add3A_2 : i32 to index
    %get3A_4 = memref.load %arg1[%get3A_3] : memref<112xi32, #tpu.memory_space<smem>>
    %c0_i32 = arith.constant 0 : i32
    %c0_i32_5 = arith.constant 0 : i32
    %c0_i32_6 = arith.constant 0 : i32
    return %get3A_4, %c0_i32, %c0_i32_5 : i32, i32, i32
  }
  func.func @transform_8(%arg0: i32, %arg1: memref<112xi32, #tpu.memory_space<smem>>) -> (i32, i32, i32) {
    %get3A = arith.constant 96 : index
    %get3A_0 = memref.load %arg1[%get3A] : memref<112xi32, #tpu.memory_space<smem>>
    %min3A = arith.minsi %arg0, %get3A_0 : i32
    %mul3A = arith.constant 16 : i32
    %mul3A_1 = arith.muli %min3A, %mul3A : i32
    %add3A = arith.constant 7 : i32
    %add3A_2 = arith.addi %mul3A_1, %add3A : i32
    %get3A_3 = arith.index_cast %add3A_2 : i32 to index
    %get3A_4 = memref.load %arg1[%get3A_3] : memref<112xi32, #tpu.memory_space<smem>>
    %c0_i32 = arith.constant 0 : i32
    %c0_i32_5 = arith.constant 0 : i32
    %c0_i32_6 = arith.constant 0 : i32
    return %get3A_4, %c0_i32, %c0_i32_5 : i32, i32, i32
  }
  func.func @transform_9(%arg0: i32, %arg1: memref<112xi32, #tpu.memory_space<smem>>) -> (i32, i32, i32) {
    %get3A = arith.constant 96 : index
    %get3A_0 = memref.load %arg1[%get3A] : memref<112xi32, #tpu.memory_space<smem>>
    %min3A = arith.minsi %arg0, %get3A_0 : i32
    %mul3A = arith.constant 16 : i32
    %mul3A_1 = arith.muli %min3A, %mul3A : i32
    %add3A = arith.constant 8 : i32
    %add3A_2 = arith.addi %mul3A_1, %add3A : i32
    %get3A_3 = arith.index_cast %add3A_2 : i32 to index
    %get3A_4 = memref.load %arg1[%get3A_3] : memref<112xi32, #tpu.memory_space<smem>>
    %c0_i32 = arith.constant 0 : i32
    %c0_i32_5 = arith.constant 0 : i32
    %c0_i32_6 = arith.constant 0 : i32
    return %get3A_4, %c0_i32, %c0_i32_5 : i32, i32, i32
  }
  func.func @transform_10(%arg0: i32, %arg1: memref<112xi32, #tpu.memory_space<smem>>) -> (i32, i32, i32) {
    %get3A = arith.constant 96 : index
    %get3A_0 = memref.load %arg1[%get3A] : memref<112xi32, #tpu.memory_space<smem>>
    %min3A = arith.minsi %arg0, %get3A_0 : i32
    %mul3A = arith.constant 16 : i32
    %mul3A_1 = arith.muli %min3A, %mul3A : i32
    %add3A = arith.constant 9 : i32
    %add3A_2 = arith.addi %mul3A_1, %add3A : i32
    %get3A_3 = arith.index_cast %add3A_2 : i32 to index
    %get3A_4 = memref.load %arg1[%get3A_3] : memref<112xi32, #tpu.memory_space<smem>>
    %c0_i32 = arith.constant 0 : i32
    %c0_i32_5 = arith.constant 0 : i32
    %c0_i32_6 = arith.constant 0 : i32
    return %get3A_4, %c0_i32, %c0_i32_5 : i32, i32, i32
  }
  func.func @transform_11(%arg0: i32, %arg1: memref<112xi32, #tpu.memory_space<smem>>) -> (i32, i32, i32) {
    %get3A = arith.constant 96 : index
    %get3A_0 = memref.load %arg1[%get3A] : memref<112xi32, #tpu.memory_space<smem>>
    %min3A = arith.minsi %arg0, %get3A_0 : i32
    %mul3A = arith.constant 16 : i32
    %mul3A_1 = arith.muli %min3A, %mul3A : i32
    %add3A = arith.constant 10 : i32
    %add3A_2 = arith.addi %mul3A_1, %add3A : i32
    %get3A_3 = arith.index_cast %add3A_2 : i32 to index
    %get3A_4 = memref.load %arg1[%get3A_3] : memref<112xi32, #tpu.memory_space<smem>>
    %c0_i32 = arith.constant 0 : i32
    %c0_i32_5 = arith.constant 0 : i32
    %c0_i32_6 = arith.constant 0 : i32
    return %get3A_4, %c0_i32, %c0_i32_5 : i32, i32, i32
  }
  func.func @transform_12(%arg0: i32, %arg1: memref<112xi32, #tpu.memory_space<smem>>) -> (i32, i32, i32) {
    %get3A = arith.constant 96 : index
    %get3A_0 = memref.load %arg1[%get3A] : memref<112xi32, #tpu.memory_space<smem>>
    %min3A = arith.minsi %arg0, %get3A_0 : i32
    %mul3A = arith.constant 16 : i32
    %mul3A_1 = arith.muli %min3A, %mul3A : i32
    %add3A = arith.constant 11 : i32
    %add3A_2 = arith.addi %mul3A_1, %add3A : i32
    %get3A_3 = arith.index_cast %add3A_2 : i32 to index
    %get3A_4 = memref.load %arg1[%get3A_3] : memref<112xi32, #tpu.memory_space<smem>>
    %c0_i32 = arith.constant 0 : i32
    %c0_i32_5 = arith.constant 0 : i32
    %c0_i32_6 = arith.constant 0 : i32
    return %get3A_4, %c0_i32, %c0_i32_5 : i32, i32, i32
  }
  func.func @transform_13(%arg0: i32, %arg1: memref<112xi32, #tpu.memory_space<smem>>) -> (i32, i32, i32) {
    %get3A = arith.constant 96 : index
    %get3A_0 = memref.load %arg1[%get3A] : memref<112xi32, #tpu.memory_space<smem>>
    %min3A = arith.minsi %arg0, %get3A_0 : i32
    %mul3A = arith.constant 16 : i32
    %mul3A_1 = arith.muli %min3A, %mul3A : i32
    %add3A = arith.constant 12 : i32
    %add3A_2 = arith.addi %mul3A_1, %add3A : i32
    %get3A_3 = arith.index_cast %add3A_2 : i32 to index
    %get3A_4 = memref.load %arg1[%get3A_3] : memref<112xi32, #tpu.memory_space<smem>>
    %c0_i32 = arith.constant 0 : i32
    %c0_i32_5 = arith.constant 0 : i32
    %c0_i32_6 = arith.constant 0 : i32
    return %get3A_4, %c0_i32, %c0_i32_5 : i32, i32, i32
  }
  func.func @transform_14(%arg0: i32, %arg1: memref<112xi32, #tpu.memory_space<smem>>) -> (i32, i32, i32) {
    %get3A = arith.constant 96 : index
    %get3A_0 = memref.load %arg1[%get3A] : memref<112xi32, #tpu.memory_space<smem>>
    %min3A = arith.minsi %arg0, %get3A_0 : i32
    %mul3A = arith.constant 16 : i32
    %mul3A_1 = arith.muli %min3A, %mul3A : i32
    %add3A = arith.constant 13 : i32
    %add3A_2 = arith.addi %mul3A_1, %add3A : i32
    %get3A_3 = arith.index_cast %add3A_2 : i32 to index
    %get3A_4 = memref.load %arg1[%get3A_3] : memref<112xi32, #tpu.memory_space<smem>>
    %c0_i32 = arith.constant 0 : i32
    %c0_i32_5 = arith.constant 0 : i32
    %c0_i32_6 = arith.constant 0 : i32
    return %get3A_4, %c0_i32, %c0_i32_5 : i32, i32, i32
  }
  func.func @transform_15(%arg0: i32, %arg1: memref<112xi32, #tpu.memory_space<smem>>) -> (i32, i32, i32) {
    %get3A = arith.constant 96 : index
    %get3A_0 = memref.load %arg1[%get3A] : memref<112xi32, #tpu.memory_space<smem>>
    %min3A = arith.minsi %arg0, %get3A_0 : i32
    %mul3A = arith.constant 16 : i32
    %mul3A_1 = arith.muli %min3A, %mul3A : i32
    %add3A = arith.constant 14 : i32
    %add3A_2 = arith.addi %mul3A_1, %add3A : i32
    %get3A_3 = arith.index_cast %add3A_2 : i32 to index
    %get3A_4 = memref.load %arg1[%get3A_3] : memref<112xi32, #tpu.memory_space<smem>>
    %c0_i32 = arith.constant 0 : i32
    %c0_i32_5 = arith.constant 0 : i32
    %c0_i32_6 = arith.constant 0 : i32
    return %get3A_4, %c0_i32, %c0_i32_5 : i32, i32, i32
  }
  func.func @transform_16(%arg0: i32, %arg1: memref<112xi32, #tpu.memory_space<smem>>) -> (i32, i32, i32) {
    %get3A = arith.constant 96 : index
    %get3A_0 = memref.load %arg1[%get3A] : memref<112xi32, #tpu.memory_space<smem>>
    %min3A = arith.minsi %arg0, %get3A_0 : i32
    %mul3A = arith.constant 16 : i32
    %mul3A_1 = arith.muli %min3A, %mul3A : i32
    %add3A = arith.constant 15 : i32
    %add3A_2 = arith.addi %mul3A_1, %add3A : i32
    %get3A_3 = arith.index_cast %add3A_2 : i32 to index
    %get3A_4 = memref.load %arg1[%get3A_3] : memref<112xi32, #tpu.memory_space<smem>>
    %c0_i32 = arith.constant 0 : i32
    %c0_i32_5 = arith.constant 0 : i32
    %c0_i32_6 = arith.constant 0 : i32
    return %get3A_4, %c0_i32, %c0_i32_5 : i32, i32, i32
  }
  func.func @transform_17(%arg0: i32, %arg1: memref<112xi32, #tpu.memory_space<smem>>) -> (i32, i32) {
    %get3A = arith.constant 96 : index
    %get3A_0 = memref.load %arg1[%get3A] : memref<112xi32, #tpu.memory_space<smem>>
    %min3A = arith.minsi %arg0, %get3A_0 : i32
    %c0_i32 = arith.constant 0 : i32
    %c0_i32_1 = arith.constant 0 : i32
    return %min3A, %c0_i32 : i32, i32
  }
}

</mosaic_0001>

<sc_bundles>
// kernel: kernel.5.cloned.1.call-start
scs
__scs_entry_jumppad:
0x0: {  	(pc) =	sbr.rel $0x88, $3  }
0x1: {  	(tag) =	ssettag $0x0;
	lr =	simm.s32 $0x1  }
0x2: {  	[smem:$0x3F9E] =	sst lr;
	_ =	strace $0xD0000000  }
0x3: {  	_ = 	snop  }
0x4: {  	_ = 	snop  }
0x5: {  	_ = 	snop  }
0x6: {  	_ = 	snop  }
0x7: {  	_ = 	snop  }
__scs_overlays_trampoline_lowered:
0x8: {  	[smem:$0x3FAD] =	sst s0  }
0x9: {  	[smem:$0x3FAE] =	sst s1  }
0xa: {  	[smem:$0x3FAF] =	sst s2  }
0xb: {  	[smem:$0x3FB0] =	sst s3  }
0xc: {  	[smem:$0x3FB1] =	sst s4  }
0xd: {  	[smem:$0x3FB2] =	sst s5  }
0xe: {  	[smem:$0x3FB3] =	sst s6  }
0xf: {  	[smem:$0x3FB4] =	sst s7  }
0x10: {  	[smem:$0x3FB5] =	sst s8  }
0x11: {  	[smem:$0x3FB6] =	sst s9;
	s0 =	simm.s32 @!p0 $0x0  }
0x12: {  	s1 =	sld [smem:$0x3F9C];
	s0 =	simm.s32 @p0 $0x1  }
0x13: {  	[smem:$0x3FB7] =	sst s0;
	s0 =	simm.s32 @!p1 $0x0  }
0x14: {  	s2 =	sld [smem:$0x3F9B];
	s0 =	simm.s32 @p1 $0x1  }
0x15: {  	[smem:$0x3FB8] =	sst s0;
	s0 =	simm.s32 @!p2 $0x0  }
0x16: {  	s3 =	sld [smem:$0x3FDB];
	s0 =	simm.s32 @p2 $0x1  }
0x17: {  	s4 =	simm.s32 $0x1BF5;
	[smem:$0x3FBA] =	sst s0  }
0x18: {  	s0 =	sld [smem:$0x3F9D];
	_ =	swait.ge [sflag:s4], $0x0  }
0x19: {  	s7 =	sld [smem:$0x3F9E]  }
0x1a: {  	s8 =	sadd.s32 $0xFFFFE003, lr  }
0x1b: {  	s9 =	sadd.s32 $0xFFFFFEF7, lr;
	s5 =	simm.s32 $0xFFFFFFFF;
	p2 =	slt.u32 s8, $0xFFFFF086  }
0x1c: {  	p1 =	slt.u32 s9, $0xF7A;
	s5 =	simm.s32 @!p2 $0x0  }
0x1d: {  	s5 =	simm.s32 @p1 $0x1;
	p0 =	seq.s32 s7, s2  }
0x1e: {  	s7 =	smul.u32 @!p0 $0xF7A, s2;
	p2 =	seq.s32 @!p0 s5, $0x0  }
0x1f: {  	s9 =	smul.u32 $0xF7A, s1;
	s8 =	simm.s32 @!p0 $0x1BF5;
	p2 =	por !p2, p0  }
0x20: {  	[sflag:s8] =	ssyncset.s32 @!p0 $0xFFFFF086;
	s6 =	sadd.s32 @!p0 s3, s7;
	s7 =	simm.s32 @!p0 $0x108  }
0x21: {  	s3 =	sadd.s32 s3, s9;
	s6 =	sadd.s32 @!p0 $0x88, s6;
	s7 =	simm.s32 @p2 $0x1082  }
0x22: {  	[simem:s7], [sflag:s8] =	dma.local @!p0 [hbm:s6], $0xF7A  }
0x23: {  	s9 =	sor.u32 $0xD0000000, s2;
	s6 =	simm.s32 $0x108;
	_ =	swait.ge @!p0 [sflag:s8], $0x0  }
0x24: {  	s3 =	sadd.s32 $0x88, s3;
	s6 =	simm.s32 @!p1 $0x1082;
	[sflag:s4] =	ssyncset.s32 $0xFFFFF086  }
0x25: {  	[simem:s6], [sflag:s4] =	dma.local [hbm:s3], $0xF7A  }
0x26: {  	[smem:$0x3F9E] =	sst s1;
	(tag) =	ssettag s2;
	_ =	strace s9  }
0x27: {  	s1 =	sld [smem:$0x3FAE]  }
0x28: {  	s2 =	sld [smem:$0x3FAF]  }
0x29: {  	s4 =	sld [smem:$0x3FB1]  }
0x2a: {  	p0 =	seq.s32 s5, $0x0;
	s5 =	sld [smem:$0x3FB2]  }
0x2b: {  	s6 =	sld [smem:$0x3FB3]  }
0x2c: {  	s7 =	sld [smem:$0x3FB4]  }
0x2d: {  	s3 =	simm.s32 $0x108;
	s8 =	sld [smem:$0x3FB5]  }
0x2e: {  	s3 =	simm.s32 @!p0 $0x1082;
	s9 =	sld [smem:$0x3FB6]  }
0x2f: {  	lr =	sadd.s32 s0, s3;
	s0 =	sld [smem:$0x3FAD]  }
0x30: {  	s3 =	sld [smem:$0x3FB0]  }
0x31: {  	[smem:$0x3FB9] =	sst s10  }
0x32: {  	s10 =	sld [smem:$0x3FB7];
	_ =	sdelay $0x3  }
0x33: {  	p0 =	seq.s32 s10, $0x1;
	s10 =	sld [smem:$0x3FB9];
	_ =	sdelay $0x3  }
0x34: {  	[smem:$0x3FB9] =	sst s10  }
0x35: {  	s10 =	sld [smem:$0x3FB8];
	_ =	sdelay $0x3  }
0x36: {  	p1 =	seq.s32 s10, $0x1;
	s10 =	sld [smem:$0x3FB9];
	_ =	sdelay $0x3  }
0x37: {  	[smem:$0x3FB9] =	sst s10  }
0x38: {  	s10 =	sld [smem:$0x3FBA]  }
0x39: {  	_ = 	snop;
	(pc) =	sbr.ind lr, $3  }
0x3a: {  	_ = 	snop  }
0x3b: {  	_ = 	snop  }
0x3c: {  	p2 =	seq.s32 s10, $0x1;
	s10 =	sld [smem:$0x3FB9]  }
0x3d: {  	_ =	shalt  }
0x3e: {  	_ =	shalt  }
0x3f: {  	_ =	shalt  }
0x40: {  	_ =	shalt  }
0x41: {  	_ =	shalt  }
0x42: {  	_ =	shalt  }
0x43: {  	_ =	shalt  }
0x44: {  	_ =	shalt  }
0x45: {  	_ =	shalt  }
0x46: {  	_ =	shalt  }
0x47: {  	_ =	shalt  }
0x48: {  	_ =	shalt  }
0x49: {  	_ =	shalt  }
0x4a: {  	_ =	shalt  }
0x4b: {  	_ =	shalt  }
0x4c: {  	_ =	shalt  }
0x4d: {  	_ =	shalt  }
0x4e: {  	_ =	shalt  }
0x4f: {  	_ =	shalt  }
0x50: {  	_ =	shalt  }
0x51: {  	_ =	shalt  }
0x52: {  	_ =	shalt  }
0x53: {  	_ =	shalt  }
0x54: {  	_ =	shalt  }
0x55: {  	_ =	shalt  }
0x56: {  	_ =	shalt  }
0x57: {  	_ =	shalt  }
0x58: {  	_ =	shalt  }
0x59: {  	_ =	shalt  }
0x5a: {  	_ =	shalt  }
0x5b: {  	_ =	shalt  }
0x5c: {  	_ =	shalt  }
0x5d: {  	_ =	shalt  }
0x5e: {  	_ =	shalt  }
0x5f: {  	_ =	shalt  }
0x60: {  	_ =	shalt  }
0x61: {  	_ =	shalt  }
0x62: {  	_ =	shalt  }
0x63: {  	_ =	shalt  }
0x64: {  	_ =	shalt  }
0x65: {  	_ =	shalt  }
0x66: {  	_ =	shalt  }
0x67: {  	_ =	shalt  }
0x68: {  	_ =	shalt  }
0x69: {  	_ =	shalt  }
0x6a: {  	_ =	shalt  }
0x6b: {  	_ =	shalt  }
0x6c: {  	_ =	shalt  }
0x6d: {  	_ =	shalt  }
0x6e: {  	_ =	shalt  }
0x6f: {  	_ =	shalt  }
0x70: {  	_ =	shalt  }
0x71: {  	_ =	shalt  }
0x72: {  	_ =	shalt  }
0x73: {  	_ =	shalt  }
0x74: {  	_ =	shalt  }
0x75: {  	_ =	shalt  }
0x76: {  	_ =	shalt  }
0x77: {  	_ =	shalt  }
0x78: {  	_ =	shalt  }
0x79: {  	_ =	shalt  }
0x7a: {  	_ =	shalt  }
0x7b: {  	_ =	shalt  }
0x7c: {  	_ =	shalt  }
0x7d: {  	_ =	shalt  }
0x7e: {  	_ =	shalt  }
0x7f: {  	_ =	shalt  }
0x80: {  	_ =	shalt  }
0x81: {  	_ =	shalt  }
0x82: {  	_ =	shalt  }
0x83: {  	_ =	shalt  }
0x84: {  	_ =	shalt  }
0x85: {  	_ =	shalt  }
0x86: {  	_ =	shalt  }
0x87: {  	_ =	shalt  }
.Lfunc_end0:
.L_simem_size_0:
called_computation_lowered:
.L_overlay_start_0:
0x88: {  	s2 =	sld [smem:$0x3FD9]  }
0x89: {  	s3 =	sld [smem:$0x3FFE];
	_ =	sdelay $0x1  }
0x8a: {  	s1 =	srdreg.scid  }
0x8b: {  	s0 =	sand.u32 $0x1, s1  }
0x8c: {  	s17 =	sshll.u32 s0, $0xA;
	s2 =	sadd.s32 s3, s2  }
0x8d: {  	s2 =	sadd.s32 s2, s17  }
0x8e: {  	[smem:$0x3FC5] =	sst s2  }
0x8f: {  	_ = 	snop  }
0x90: {  	s2 =	sld [smem:$0x3FC9]  }
0x91: {  	s18 =	sld [smem:$0x3FC8]  }
0x92: {  	s4 =	sld [smem:$0x3FD0];
	(tm) =	ssettm $0x1  }
0x93: {  	s5 =	sld [smem:$0x3FFB];
	_ =	sdelay $0x3  }
0x94: {  	_ =	strace s5  }
0x95: {  	s5 =	sld [smem:$0x3FFC];
	_ =	sdelay $0x3  }
0x96: {  	_ =	strace s5  }
0x97: {  	s5 =	sld [smem:$0x3FFD];
	_ =	sdelay $0x3  }
0x98: {  	_ =	strace s5  }
0x99: {  	_ =	strace $0x8FFFFFFF  }
0x9a: {  	s19 =	sld [smem:$0x3FDB];
	_ =	sdelay $0x1  }
0x9b: {  	s6 =	simm.s32 $_scs_section_size  }
0x9c: {  	s7 =	simm.s32 $_size__tile_overlayer_lowered;
	s8 =	simm.s32 $_tile_overlayer_lowered  }
0x9d: {  	s22 =	simm.s32 $0x1BFF;
	s21 =	sshll.u32 s8, $0x1;
	s5 =	sadd.s32 s6, s19  }
0x9e: {  	s9 =	simm.s32 $0x0;
	s20 =	sshll.u32 s7, $0x1;
	s7 =	sadd.s32 s21, s5  }
0x9f: {  	[timem:s9], [sflag:s22] =	dma.local [hbm:s7], s20  }
0xa0: {  	_ =	swait.ge [sflag:s22], s20  }
0xa1: {  	s6 =	ssub.s32 $0x0, s20;
	[sflag:s22] =	ssyncset.done $0x0  }
0xa2: {  	[sflag:s22] =	ssyncadd.s32 s6;
	_ =	sdelay $0x1  }
0xa3: {  	s23 =	simm.s32 $0x1B8B  }
0xa4: {  	_ =	swait.ge [sflag:s23], $0x1  }
0xa5: {  	[sflag:s23] =	ssyncset.done $0x0  }
0xa6: {  	s25 =	simm.s32 $0x1B8E;
	s24 =	sld [smem:$0x3FFE];
	[sflag:s23] =	ssyncadd.s32 $0xFFFFFFFF  }
0xa7: {  	s26 =	simm.s32 $execute0_lowered;
	[smem:$0x3FD2] =	sst s25  }
0xa8: {  	s7 =	sshll.u32 s26, $0x1;
	_ =	strace $0x80000046;
	[dreg:$0x1] =	wrdreg $0xFFFFFFFF  }
0xa9: {  	s28 =	simm.s32 $_size_execute0_lowered;
	s5 =	sadd.s32 s5, s7;
	[dreg:$0x0] =	wrdreg $0x0  }
0xaa: {  	s7 =	sshll.u32 s28, $0x1;
	[dreg:$0x2] =	wrdreg s5  }
0xab: {  	[dreg:$0x3] =	wrdreg s7  }
0xac: {  	[dreg:$0x4] =	wrdreg $0xC0  }
0xad: {  	_ =	task [dreg:s9], $0x5FFFF  }
0xae: {  	[dreg:$0x1] =	wrdreg $0xFFFFFFFF  }
0xaf: {  	[dreg:$0x0] =	wrdreg $0x60  }
0xb0: {  	[dreg:$0x2] =	wrdreg s18  }
0xb1: {  	[dreg:$0x3] =	wrdreg s2  }
0xb2: {  	[dreg:$0x4] =	wrdreg s24  }
0xb3: {  	[dreg:$0x5] =	wrdreg s4  }
0xb4: {  	[dreg:$0x6] =	wrdreg $0x9  }
0xb5: {  	_ =	task.clear_ibuf [dreg:s9], $0x7FFFF;
	_ =	strace $0x90000046  }
0xb6: {  	s29 =	simm.s32 $0x9;
	_ =	strace $0x80000048  }
0xb7: {  	_ =	swait.ge [sflag:s29], $0x1  }
0xb8: {  	[sflag:s29] =	ssyncadd.s32 $0xFFFFFFFF  }
0xb9: {  	_ =	strace $0x90000048  }
0xba: {  	_ =	sfence  }
0xbb: {  	s30 =	sld [smem:$0x0];
	_ =	sdelay $0x2  }
0xbc: {  	s31 =	sshll.u32 s1, $0xD;
	s1 =	sshrl.u32 s1, $0x2  }
0xbd: {  	s3 =	sand.u32 $0x4000, s31;
	s1 =	sadd.s32 s1, s30  }
0xbe: {  	s0 =	sor.u32 s3, s0;
	s1 =	sshll.u32 s1, $0x11  }
0xbf: {  	s0 =	sor.u32 s1, s0  }
0xc0: {  	s0 =	sadd.s32 $0x8F2B, s0  }
0xc1: {  	[sflag:s0] =	ssyncadd.remote.s32 $0x1  }
0xc2: {  	_ =	sfence.sel $0xFFFF  }
0xc3: {  	[dreg:$0x0] =	wrdreg $0xFFFFFFFF;
	(pc) =	sbr.abs _section_cstart, $3  }
0xc4: {  	[dreg:$0x1] =	wrdreg $0xFFFFFFFF  }
0xc5: {  	_ =	task.clear_ibuf [dreg:s9], $0x2FFFF;
	_ =	strace $0x9FFFFFFF  }
0xc6: {  	(tm) =	ssettm $0x7FFFFFFF  }
0xc7: {  	_ =	shalt  }
tec
execute0_lowered:
.L_overlay_start_1:
0x0: {  	(tag) =	ssettag $0x1  }
0x1: {  	s31 =	rddreg [dreg:$0x0]  }
0x2: {  	s0 =	rddreg [dreg:$0x1]  }
0x3: {  	s1 =	rddreg [dreg:$0x2];
	s4 =	simm.s32 $0x0  }
0x4: {  	s2 =	srdreg.scid;
	s11 =	stileid.u32;
	s14 =	simm.s32 $0x1400  }
0x5: {  	s15 =	simm.s32 $0x4;
	s16 =	simm.s32 $0x1080;
	s17 =	simm.s32 $0x1180  }
0x6: {  	s19 =	simm.s32 $0x1100;
	s20 =	simm.s32 $0x1;
	s18 =	simm.s32 $0x8400  }
0x7: {  	s21 =	simm.s32 $0x1300;
	s22 =	simm.s32 $0x1380;
	s23 =	simm.s32 $0x2  }
0x8: {  	s24 =	simm.s32 $0x3;
	s25 =	simm.s32 $0x1000;
	[smem:$0x7FF] =	sst s4  }
0x9: {  	s2 =	sand.u32 $0x1, s2;
	s3 =	sshll.u32 s11, $0x1;
	s5 =	sadd.s32 $0x1000, s1  }
0xa: {  	s26 =	sshll.u32 s11, $0x4;
	s29 =	sshll.u32 s11, $0xA;
	_ =	strace $0x80000047  }
0xb: {  	s3 =	sor.u32 s2, s3;
	s6 =	ssub.s32 $0x2, s2;
	s28 =	sshll.u32 s2, $0x3  }
0xc: {  	s2 =	sshll.u32 s2, $0x9;
	s7 =	sshll.u32 s3, $0x4;
	s8 =	sshrl.u32 s6, $0x1  }
0xd: {  	s9 =	sshll.u32 s3, $0xC;
	s30 =	sor.u32 s2, s29;
	p0 =	seq.s32 s3, $0x0  }
0xe: {  	s2 =	simm.s32 $0x7C00;
	s1 =	sadd.s32 s7, s1;
	s10 =	ssub.s32 s6, s8  }
0xf: {  	s6 =	sadd.s32 s0, s9;
	s7 =	sshll.u32 s3, $0x3;
	s0 =	sor.u32 s26, s28  }
0x10: {  	v0 =	vimm.s32 $0x0;
	v1 =	vlaneseq.u32;
	s13 =	sshrl.u32 s30, $0x2;
	s3 =	simm.s32 $0x1C00;
	s26 =	simm.s32 $0x0  }
0x11: {  	v2 =	vimm.s32 $0x1;
	vm0 =	vmmov $0xffff;
	v4 =	vshrl.u32 v1, $0x3;
	s8 =	sadd.s32 $0x61000, s1;
	s9 =	sadd.s32 $0x61008, s1;
	s10 =	smax.u32 s10, $0x1  }
0x12: {  	v3 =	vand.u32 $0x7, v1;
	v5 =	vor.u32 $0x8, v1;
	v4 =	vmul.u32 $0x8, v4;
	s11 =	smax.u32 s0, $0x1;
	s12 =	ssub.s32 $0x100, s0;
	s1 =	simm.s32 $0x8C00  }
.LBB2_1:
0x13: {  	[tilespmem:s14], [sflag:$0x1] =	stream.linear.gather [hbm4b:s6+s4], $0x8000, $0x38;
	[tilespmem:$0x9400] =	vst v63  }
0x14: {  	_ = 	snop  }
0x15: {  	[tilespmem:s4], [sflag:$0x4] =	stream.linear.gather [hbm4b:s31+s4], $0x1000, $0x38;
	[tilespmem:$0x9400] =	vst v63  }
0x16: {  	_ =	swait.ge [sflag:s15], $0x1000  }
0x17: {  	[sflag:s15] =	ssyncset.done $0x0  }
.Ltmp0:
0x18: {  	[sflag:s15] =	ssyncadd.s32 $0xFFFFF000;
	(pc) =	sbr.rel @p0 .LBB2_5-.Ltmp0, $4  }
0x19: {  	[tilespmem:$0x1000] =	vst v0  }
0x1a: {  	[tilespmem:$0x1010] =	vst v0  }
0x1b: {  	[tilespmem:$0x1020] =	vst v0  }
0x1c: {  	[tilespmem:$0x1030] =	vst v0  }
0x1d: {  	p1 =	sne.s32 s11, $0x1  }
.Ltmp1:
0x1e: {  	_ = 	snop;
	(pc) =	sbr.rel @!p1 .LBB2_4-.Ltmp1, $2  }
0x1f: {  	_ =	sdelay $0x2  }
0x20: {  	v6 =	vld [tilespmem:s4+$0x0];
	s28 =	sadd.s32 $0xFFFFFFFF, s11;
	s29 =	simm.s32 $0x0  }
.LBB2_3:
0x21: {  	p1 =	sne.s32 s28, $0x1;
	_ =	sdelay $0x3  }
.Ltmp2:
0x22: {  	(pc) =	sbr.rel @p1 .LBB2_3-.Ltmp2, $3  }
0x23: {  	_ =	sdelay $0x1  }
0x24: {  	s29 =	sadd.s32 $0x10, s29;
	[tilespmem:v6+s25+$0x0] =	vst.idx.add.s32.msk $0xffff, v2  }
0x25: {  	s28 =	sadd.s32 $0xFFFFFFFF, s28;
	v6 =	vld [tilespmem:s29+$0x0]  }
.LBB2_4:
0x26: {  	_ =	sdelay $0x7  }
0x27: {  	[tilespmem:v6+s25+$0x0] =	vst.idx.add.s32.msk $0xffff, v2  }
.LBB2_5:
0x28: {  	v6 =	vld [tilespmem:$0x1000]  }
0x29: {  	v7 =	vld [tilespmem:$0x1010]  }
0x2a: {  	v8 =	vld [tilespmem:$0x1020]  }
0x2b: {  	v9 =	vld [tilespmem:$0x1030]  }
0x2c: {  	p1 =	seq.s32 s12, $0x1  }
.Ltmp3:
0x2d: {  	[tilespmem:$0x1080] =	vst v6;
	(pc) =	sbr.rel @p1 .LBB2_7-.Ltmp3, $4  }
0x2e: {  	[tilespmem:$0x1090] =	vst v7  }
0x2f: {  	[tilespmem:$0x10A0] =	vst v8  }
0x30: {  	[tilespmem:$0x10B0] =	vst v9  }
0x31: {  	s28 =	sadd.s32 $0xFFFFFFFF, s12;
	s29 =	smov.u32 s13;
	v6 =	vld [tilespmem:s13+$0x0]  }
.LBB2_6:
0x32: {  	p1 =	seq.s32 s28, $0x1;
	_ =	sdelay $0x3  }
.Ltmp4:
0x33: {  	(pc) =	sbr.rel @!p1 .LBB2_6-.Ltmp4, $3  }
0x34: {  	_ =	sdelay $0x1  }
0x35: {  	s29 =	sadd.s32 $0x10, s29;
	[tilespmem:v6+s16+$0x0] =	vst.idx.add.s32.msk $0xffff, v2  }
0x36: {  	s28 =	sadd.s32 $0xFFFFFFFF, s28;
	v6 =	vld [tilespmem:s29+$0x0]  }
.LBB2_7:
0x37: {  	_ =	sdelay $0x7  }
0x38: {  	[tilespmem:v6+s16+$0x0] =	vst.idx.add.s32.msk $0xffff, v2  }
0x39: {  	v6 =	vld [tilespmem:$0x1080]  }
0x3a: {  	v7 =	vld [tilespmem:$0x1090];
	_ =	sdelay $0x1  }
0x3b: {  	v8 =	vld [tilespmem:$0x10A0];
	_ =	sdelay $0x1  }
0x3c: {  	v6 =	vadd.s32 $0x7F, v6  }
0x3d: {  	v7 =	vadd.s32 $0x7F, v7;
	v6 =	vand.u32 $0xFFFFFF80, v6  }
0x3e: {  	v7 =	vand.u32 $0xFFFFFF80, v7;
	(xrf0) =	vadd.scan.msk.s32 $0xffff, v6  }
0x3f: {  	v8 =	vadd.s32 $0x7F, v8;
	(xrf0) =	vadd.scan.msk.s32 $0xffff, v7  }
0x40: {  	v8 =	vand.u32 $0xFFFFFF80, v8  }
0x41: {  	(xrf0) =	vadd.scan.msk.s32 $0xffff, v8;
	_ =	sdelay $0x2  }
0x42: {  	v9, _, _ =	vpop (xrf0)  }
0x43: {  	v10, _, _ =	vpop (xrf0);
	(v2sf) =	vpush v9, $0xF  }
0x44: {  	(v2sf) =	vpush v10, $0xF  }
0x45: {  	v11, _, _ =	vpop (xrf0)  }
0x46: {  	(v2sf) =	vpush v11, $0xF;
	_ =	sdelay $0x1  }
0x47: {  	v12 =	vld [tilespmem:$0x10B0];
	_ =	sdelay $0x3  }
0x48: {  	v13 =	vld [tilespmem:$0x1000]  }
0x49: {  	v12 =	vadd.s32 $0x7F, v12  }
0x4a: {  	v12 =	vand.u32 $0xFFFFFF80, v12  }
0x4b: {  	v14 =	vld [tilespmem:$0x1010];
	(xrf0) =	vadd.scan.msk.s32 $0xffff, v12  }
0x4c: {  	v6 =	vsub.s32 v9, v6  }
0x4d: {  	v15 =	vld [tilespmem:$0x1020];
	v9 =	vbroadcast v9, $0xF;
	v61 =	vadd.s32 v13, v6;
	v6 =	vshra.s32 v6, $0x7  }
0x4e: {  	v7 =	vsub.s32 v10, v7;
	[tilespmem:$0x1200] =	vst v6;
	v6 =	vsub.s32 v11, v8;
	s28 =	spop (v2sf)  }
0x4f: {  	v62 =	vld [tilespmem:$0x1030];
	v7 =	vadd.s32 v9, v7;
	s29 =	spop (v2sf)  }
0x50: {  	[tilespmem:$0x1100] =	vst v61;
	v8 =	vadd.s32 v14, v7;
	s28 =	sadd.s32 s28, s29  }
0x51: {  	v7 =	vshra.s32 v7, $0x7;
	[tilespmem:$0x1110] =	vst v8;
	s30 =	spop (v2sf);
	v8 =	vadd.s32 s28, v6;
	v6, _, _ =	vpop (xrf0)  }
.Ltmp5:
0x52: {  	[tilespmem:$0x1210] =	vst v7;
	s28 =	sadd.s32 s28, s30;
	v7 =	vadd.s32 v15, v8;
	v63 =	vsub.s32 v6, v12;
	(pc) =	sbr.rel @!p0 .LBB2_9-.Ltmp5, $4  }
0x53: {  	[tilespmem:$0x1120] =	vst v7;
	v7 =	vshra.s32 v8, $0x7;
	v8 =	vadd.s32 s28, v63  }
0x54: {  	[tilespmem:$0x1220] =	vst v7;
	v7 =	vadd.s32 v62, v8  }
0x55: {  	[tilespmem:$0x1130] =	vst v7;
	v7 =	vshra.s32 v8, $0x7  }
0x56: {  	[tilespmem:$0x1230] =	vst v7  }
0x57: {  	v7 =	vld [tilespmem:$0x1200]  }
0x58: {  	[tilespmem:$0x1180] =	vst v0  }
0x59: {  	[tilespmem:$0x1190] =	vst v0  }
0x5a: {  	[tilespmem:$0x11A0] =	vst v0  }
0x5b: {  	[tilespmem:$0x11B0] =	vst v0  }
0x5c: {  	[tilespmem:$0x11C0] =	vst v0  }
0x5d: {  	[tilespmem:$0x11D0] =	vst v0  }
0x5e: {  	[tilespmem:$0x11E0] =	vst v0  }
0x5f: {  	[tilespmem:v7+s17+$0x0] =	vst.idx.add.s32.msk $0xffff, v2  }
0x60: {  	v7 =	vld [tilespmem:$0x1210];
	_ =	sdelay $0x7  }
0x61: {  	[tilespmem:v7+s17+$0x0] =	vst.idx.add.s32.msk $0xffff, v2  }
0x62: {  	v7 =	vld [tilespmem:$0x1220];
	_ =	sdelay $0x7  }
0x63: {  	[tilespmem:v7+s17+$0x0] =	vst.idx.add.s32.msk $0xffff, v2  }
0x64: {  	v7 =	vld [tilespmem:$0x1230];
	_ =	sdelay $0x7  }
0x65: {  	[tilespmem:v7+s17+$0x0] =	vst.idx.add.s32.msk $0xffff, v2  }
0x66: {  	v7 =	vld [tilespmem:$0x1180];
	_ =	sdelay $0x1  }
0x67: {  	v8 =	vld [tilespmem:$0x1190]  }
0x68: {  	v9 =	vld [tilespmem:$0x11A0]  }
0x69: {  	v10 =	vld [tilespmem:$0x11B0]  }
0x6a: {  	(xrf0) =	vadd.scan.msk.s32 $0xffff, v7;
	v7 =	vld [tilespmem:$0x11C0];
	_ =	sdelay $0x1  }
0x6b: {  	(xrf0) =	vadd.scan.msk.s32 $0xffff, v8  }
0x6c: {  	(xrf0) =	vadd.scan.msk.s32 $0xffff, v9  }
0x6d: {  	(xrf0) =	vadd.scan.msk.s32 $0xffff, v10  }
0x6e: {  	(xrf0) =	vadd.scan.msk.s32 $0xffff, v7;
	_ =	sdelay $0x1  }
0x6f: {  	(v2sf) =	vpush v6, $0xF;
	v7, _, _ =	vpop (xrf0)  }
0x70: {  	v6, _, _ =	vpop (xrf0);
	(v2sf) =	vpush v7, $0xF  }
0x71: {  	v54, _, _ =	vpop (xrf0);
	(v2sf) =	vpush v6, $0xF  }
0x72: {  	v55, _, _ =	vpop (xrf0);
	(v2sf) =	vpush v54, $0xF  }
0x73: {  	(v2sf) =	vpush v55, $0xF;
	v56, _, _ =	vpop (xrf0)  }
0x74: {  	(v2sf) =	vpush v56, $0xF;
	_ =	sdelay $0x8  }
0x75: {  	v11 =	vld [tilespmem:$0x11D0]  }
0x76: {  	s29 =	spop (v2sf)  }
0x77: {  	s30 =	spop (v2sf)  }
0x78: {  	s3 =	smov.u32 s31;
	v7 =	vadd.s32 $0xFFFFFFFF, v7;
	s31 =	spop (v2sf)  }
0x79: {  	v13 =	vbroadcast v7, $0xF;
	s0 =	spop (v2sf);
	s30 =	sadd.s32 s30, s31  }
0x7a: {  	(xrf0) =	vadd.scan.msk.s32 $0xffff, v11;
	s31 =	spop (v2sf);
	s0 =	sadd.s32 s30, s0;
	v12 =	vmov s30  }
0x7b: {  	v6 =	vadd.s32 v6, v13;
	s30 =	sadd.s32 s0, s31;
	s31 =	smov.u32 s3;
	v57 =	vadd.s32 $0xFFFFFFFF, v12;
	v58 =	vmov s0;
	s3 =	spop (v2sf)  }
0x7c: {  	v14 =	vmov s30;
	v11 =	vbroadcast v57, $0x0;
	v12 =	vadd.s32 $0xFFFFFFFF, v58;
	s0 =	sadd.s32 s30, s3  }
0x7d: {  	s28 =	sadd.s32 s28, s29;
	[tilespmem:$0x1280] =	vst v7;
	v7 =	vbroadcast v12, $0x0;
	v59 =	vadd.s32 $0xFFFFFFFF, v14;
	v60 =	vmov s0  }
0x7e: {  	s28 =	sshra.s32 s28, $0x7;
	[tilespmem:$0x1290] =	vst v6;
	v6 =	vadd.s32 v54, v11;
	v61 =	vbroadcast v59, $0x0;
	v62 =	vadd.s32 $0xFFFFFFFF, v60  }
0x7f: {  	s0 =	sadd.s32 $0xF, s28;
	[tilespmem:$0x12A0] =	vst v6;
	v6 =	vadd.s32 v55, v7;
	v7 =	vbroadcast v62, $0x0  }
0x80: {  	v63, _, _ =	vpop (xrf0);
	s0 =	sshra.s32 s0, $0x4;
	[tilespmem:$0x12B0] =	vst v6;
	v6 =	vadd.s32 v56, v61  }
0x81: {  	s0 =	sadd.s32 $0xFFFFFFFF, s0;
	[tilespmem:$0x12C0] =	vst v6;
	v6 =	vadd.s32 v63, v7  }
0x82: {  	[tilespmem:$0x12D0] =	vst v6;
	v6 =	vmov s0  }
0x83: {  	s29 =	rddreg [dreg:$0x3];
	s30 =	simm.s32 $0x1280;
	[tilespmem:$0x12E0] =	vst v6  }
0x84: {  	[hbm4b:s29+s4] =	stream.linear.scatter [tilespmem:s30], [sflag:$0x4], $0x80, $0x38;
	[tilespmem:$0x9400] =	vst v63  }
0x85: {  	_ =	swait.ge [sflag:s15], $0x80  }
0x86: {  	[sflag:s15] =	ssyncset.done $0x0  }
0x87: {  	s3 =	simm.s32 $0x1C00;
	[sflag:s15] =	ssyncadd.s32 $0xFFFFFF80  }
.LBB2_9:
0x88: {  	s28 =	simm.s32 $0x0;
	s29 =	simm.s32 $0x0  }
.LBB2_10:
0x89: {  	s0 =	sadd.s32 s7, s29  }
0x8a: {  	s0 =	sshll.u32 s0, $0x4  }
0x8b: {  	s0 =	sand.u32 $0x3FFFFFF0, s0  }
0x8c: {  	v6 =	vld [tilespmem:s0+$0x0];
	_ =	sdelay $0x3  }
0x8d: {  	v7 =	vmov s28  }
0x8e: {  	v8 =	vperm.xlane v6, v7;
	_ =	sdelay $0x1  }
0x8f: {  	vm1 =	vlt.u32 v7, v1;
	vm2 =	veq.s32 v6, v8  }
0x90: {  	vm1 =	vmand vm1, vm2  }
0x91: {  	s30 =	simm.s32 $0x1;
	v8 =	vimm.s32 $0x0;
	v7 =	vld.idx.msk [tilespmem:v6+s19+$0x0], $0xffff;
	v9 =	vsel vm1, $0x1, v0  }
.LBB2_11:
0x92: {  	v10 =	vmov s30;
	p1 =	sne.s32 s30, $0xE;
	s30 =	sadd.s32 $0x1, s30;
	v8 =	vadd.s32 v9, v8  }
.Ltmp6:
0x93: {  	v9 =	vperm.xlane v6, v10;
	(pc) =	sbr.rel @p1 .LBB2_11-.Ltmp6, $4  }
0x94: {  	_ = 	snop  }
0x95: {  	vm1 =	vlt.u32 v10, v1;
	vm2 =	veq.s32 v6, v9  }
0x96: {  	vm1 =	vmand vm1, vm2  }
0x97: {  	v9 =	vsel vm1, $0x1, v0  }
0x98: {  	s0 =	sshll.u32 s29, $0x4;
	s29 =	sadd.s32 $0x1, s29  }
0x99: {  	p1 =	sne.s32 s29, $0x4  }
.Ltmp7:
0x9a: {  	_ = 	snop;
	(pc) =	sbr.rel @p1 .LBB2_10-.Ltmp7, $4  }
0x9b: {  	v8 =	vadd.s32 v9, v8  }
0x9c: {  	v7 =	vadd.s32 v7, v8;
	s0 =	sand.u32 $0x3FFFFFF0, s0  }
0x9d: {  	[tilespmem:s0+$0x1300] =	vst v7  }
0x9e: {  	[tilespmem:v6+s19+$0x0] =	vst.idx.add.s32.msk $0xffff, v2  }
0x9f: {  	_ =	swait.ge [sflag:s20], $0x8000  }
0xa0: {  	[sflag:s20] =	ssyncset.done $0x0  }
0xa1: {  	[sflag:s20] =	ssyncadd.s32 $0xFFFF8000  }
0xa2: {  	v6 =	vld [tilespmem:$0x1300];
	_ =	sdelay $0x4  }
0xa3: {  	v7 =	vshll.u32 v6, $0x1  }
0xa4: {  	v6 =	vand.u32 $0x7, v6;
	v7 =	vand.u32 $0xFFFFFFF0, v7  }
0xa5: {  	v6 =	vor.u32 v6, v7  }
0xa6: {  	v7 =	vperm.xlane v6, v3;
	_ =	sdelay $0x1  }
0xa7: {  	v6 =	vperm.xlane v6, v5;
	v7 =	vadd.s32 v4, v7;
	_ =	sdelay $0x1  }
0xa8: {  	v6 =	vadd.s32 v4, v6;
	_ =	sdelay $0x1  }
0xa9: {  	s28 =	simm.s32 $0x0  }
0xaa: {  	[hbm4b:s5+s28] =	stream.indirect_vreg.scatter [tilespmem:s14], [sflag:$0x2], $0x80, v7, vm0, $0xb8;
	[tilespmem:$0x9400] =	vst v63  }
0xab: {  	_ = 	snop  }
0xac: {  	[hbm4b:s5+s28] =	stream.indirect_vreg.scatter [tilespmem:s3], [sflag:$0x2], $0x80, v6, vm0, $0xb8;
	[tilespmem:$0x9400] =	vst v63  }
0xad: {  	v6 =	vld [tilespmem:$0x1310];
	_ =	sdelay $0x4  }
0xae: {  	v7 =	vshll.u32 v6, $0x1  }
0xaf: {  	v6 =	vand.u32 $0x7, v6;
	v7 =	vand.u32 $0xFFFFFFF0, v7  }
0xb0: {  	v6 =	vor.u32 v6, v7  }
0xb1: {  	v7 =	vperm.xlane v6, v3;
	_ =	sdelay $0x1  }
0xb2: {  	v6 =	vperm.xlane v6, v5;
	v7 =	vadd.s32 v4, v7;
	_ =	sdelay $0x1  }
0xb3: {  	v6 =	vadd.s32 v4, v6;
	_ =	sdelay $0x1  }
0xb4: {  	s0 =	simm.s32 $0x2400  }
0xb5: {  	[hbm4b:s5+s28] =	stream.indirect_vreg.scatter [tilespmem:s0], [sflag:$0x2], $0x80, v7, vm0, $0xb8;
	[tilespmem:$0x9400] =	vst v63  }
0xb6: {  	s30 =	simm.s32 $0x2C00  }
0xb7: {  	[hbm4b:s5+s28] =	stream.indirect_vreg.scatter [tilespmem:s30], [sflag:$0x2], $0x80, v6, vm0, $0xb8;
	[tilespmem:$0x9400] =	vst v63  }
0xb8: {  	v6 =	vld [tilespmem:$0x1320];
	_ =	sdelay $0x4  }
0xb9: {  	v7 =	vshll.u32 v6, $0x1  }
0xba: {  	v6 =	vand.u32 $0x7, v6;
	v7 =	vand.u32 $0xFFFFFFF0, v7  }
0xbb: {  	v6 =	vor.u32 v6, v7  }
0xbc: {  	v7 =	vperm.xlane v6, v3;
	_ =	sdelay $0x1  }
0xbd: {  	v6 =	vperm.xlane v6, v5;
	v7 =	vadd.s32 v4, v7;
	_ =	sdelay $0x1  }
0xbe: {  	v6 =	vadd.s32 v4, v6;
	_ =	sdelay $0x1  }
0xbf: {  	s30 =	simm.s32 $0x3400  }
0xc0: {  	[hbm4b:s5+s28] =	stream.indirect_vreg.scatter [tilespmem:s30], [sflag:$0x2], $0x80, v7, vm0, $0xb8;
	[tilespmem:$0x9400] =	vst v63  }
0xc1: {  	s30 =	simm.s32 $0x3C00  }
0xc2: {  	[hbm4b:s5+s28] =	stream.indirect_vreg.scatter [tilespmem:s30], [sflag:$0x2], $0x80, v6, vm0, $0xb8;
	[tilespmem:$0x9400] =	vst v63  }
0xc3: {  	v6 =	vld [tilespmem:$0x1330];
	_ =	sdelay $0x4  }
0xc4: {  	v7 =	vshll.u32 v6, $0x1  }
0xc5: {  	v6 =	vand.u32 $0x7, v6;
	v7 =	vand.u32 $0xFFFFFFF0, v7  }
0xc6: {  	v6 =	vor.u32 v6, v7  }
0xc7: {  	v7 =	vperm.xlane v6, v3;
	_ =	sdelay $0x1  }
0xc8: {  	v6 =	vperm.xlane v6, v5;
	v7 =	vadd.s32 v4, v7;
	_ =	sdelay $0x1  }
0xc9: {  	v6 =	vadd.s32 v4, v6;
	_ =	sdelay $0x1  }
0xca: {  	s30 =	simm.s32 $0x4400  }
0xcb: {  	[hbm4b:s5+s28] =	stream.indirect_vreg.scatter [tilespmem:s30], [sflag:$0x2], $0x80, v7, vm0, $0xb8;
	[tilespmem:$0x9400] =	vst v63  }
0xcc: {  	s29 =	simm.s32 $0x0;
	s30 =	simm.s32 $0x4C00  }
0xcd: {  	[hbm4b:s5+s28] =	stream.indirect_vreg.scatter [tilespmem:s30], [sflag:$0x2], $0x80, v6, vm0, $0xb8;
	[tilespmem:$0x9400] =	vst v63  }
.LBB2_14:
0xce: {  	s0 =	sadd.s32 s7, s29  }
0xcf: {  	s0 =	sshll.u32 s0, $0x4  }
0xd0: {  	s0 =	sand.u32 $0x3FFFFFF0, s0  }
0xd1: {  	v6 =	vld [tilespmem:s0+$0x40];
	_ =	sdelay $0x3  }
0xd2: {  	v7 =	vmov s28  }
0xd3: {  	v8 =	vperm.xlane v6, v7;
	_ =	sdelay $0x1  }
0xd4: {  	vm1 =	vlt.u32 v7, v1;
	vm2 =	veq.s32 v6, v8  }
0xd5: {  	vm1 =	vmand vm1, vm2  }
0xd6: {  	s30 =	simm.s32 $0x1;
	v8 =	vimm.s32 $0x0;
	v7 =	vld.idx.msk [tilespmem:v6+s19+$0x0], $0xffff;
	v9 =	vsel vm1, $0x1, v0  }
.LBB2_15:
0xd7: {  	v10 =	vmov s30;
	p1 =	sne.s32 s30, $0xE;
	s30 =	sadd.s32 $0x1, s30;
	v8 =	vadd.s32 v9, v8  }
.Ltmp8:
0xd8: {  	v9 =	vperm.xlane v6, v10;
	(pc) =	sbr.rel @p1 .LBB2_15-.Ltmp8, $4  }
0xd9: {  	_ = 	snop  }
0xda: {  	vm1 =	vlt.u32 v10, v1;
	vm2 =	veq.s32 v6, v9  }
0xdb: {  	vm1 =	vmand vm1, vm2  }
0xdc: {  	v9 =	vsel vm1, $0x1, v0  }
0xdd: {  	s0 =	sshll.u32 s29, $0x4;
	s29 =	sadd.s32 $0x1, s29  }
0xde: {  	p1 =	sne.s32 s29, $0x4  }
.Ltmp9:
0xdf: {  	_ = 	snop;
	(pc) =	sbr.rel @p1 .LBB2_14-.Ltmp9, $4  }
0xe0: {  	v8 =	vadd.s32 v9, v8  }
0xe1: {  	v7 =	vadd.s32 v7, v8;
	s0 =	sand.u32 $0x3FFFFFF0, s0  }
0xe2: {  	[tilespmem:s0+$0x1380] =	vst v7  }
0xe3: {  	[tilespmem:v6+s19+$0x0] =	vst.idx.add.s32.msk $0xffff, v2  }
0xe4: {  	v6 =	vld [tilespmem:$0x1380];
	_ =	sdelay $0x4  }
0xe5: {  	v7 =	vshll.u32 v6, $0x1  }
0xe6: {  	v6 =	vand.u32 $0x7, v6;
	v7 =	vand.u32 $0xFFFFFFF0, v7  }
0xe7: {  	v6 =	vor.u32 v6, v7  }
0xe8: {  	v7 =	vperm.xlane v6, v3;
	_ =	sdelay $0x1  }
0xe9: {  	v6 =	vperm.xlane v6, v5;
	v7 =	vadd.s32 v4, v7;
	_ =	sdelay $0x1  }
0xea: {  	v6 =	vadd.s32 v4, v6;
	_ =	sdelay $0x1  }
0xeb: {  	s0 =	simm.s32 $0x5400  }
0xec: {  	[hbm4b:s5+s4] =	stream.indirect_vreg.scatter [tilespmem:s0], [sflag:$0x3], $0x80, v7, vm0, $0xb8;
	[tilespmem:$0x9400] =	vst v63  }
0xed: {  	s30 =	simm.s32 $0x5C00  }
0xee: {  	[hbm4b:s5+s4] =	stream.indirect_vreg.scatter [tilespmem:s30], [sflag:$0x3], $0x80, v6, vm0, $0xb8;
	[tilespmem:$0x9400] =	vst v63  }
0xef: {  	v6 =	vld [tilespmem:$0x1390];
	_ =	sdelay $0x4  }
0xf0: {  	v7 =	vshll.u32 v6, $0x1  }
0xf1: {  	v6 =	vand.u32 $0x7, v6;
	v7 =	vand.u32 $0xFFFFFFF0, v7  }
0xf2: {  	v6 =	vor.u32 v6, v7  }
0xf3: {  	v7 =	vperm.xlane v6, v3;
	_ =	sdelay $0x1  }
0xf4: {  	v6 =	vperm.xlane v6, v5;
	v7 =	vadd.s32 v4, v7;
	_ =	sdelay $0x1  }
0xf5: {  	v6 =	vadd.s32 v4, v6;
	_ =	sdelay $0x1  }
0xf6: {  	s28 =	simm.s32 $0x6400  }
0xf7: {  	[hbm4b:s5+s4] =	stream.indirect_vreg.scatter [tilespmem:s28], [sflag:$0x3], $0x80, v7, vm0, $0xb8;
	[tilespmem:$0x9400] =	vst v63  }
0xf8: {  	s29 =	simm.s32 $0x6C00  }
0xf9: {  	[hbm4b:s5+s4] =	stream.indirect_vreg.scatter [tilespmem:s29], [sflag:$0x3], $0x80, v6, vm0, $0xb8;
	[tilespmem:$0x9400] =	vst v63  }
0xfa: {  	v6 =	vld [tilespmem:$0x13A0];
	_ =	sdelay $0x4  }
0xfb: {  	v7 =	vshll.u32 v6, $0x1  }
0xfc: {  	v6 =	vand.u32 $0x7, v6;
	v7 =	vand.u32 $0xFFFFFFF0, v7  }
0xfd: {  	v6 =	vor.u32 v6, v7  }
0xfe: {  	v7 =	vperm.xlane v6, v3;
	_ =	sdelay $0x1  }
0xff: {  	v6 =	vperm.xlane v6, v5;
	v7 =	vadd.s32 v4, v7;
	_ =	sdelay $0x1  }
0x100: {  	v6 =	vadd.s32 v4, v6;
	_ =	sdelay $0x1  }
0x101: {  	s30 =	simm.s32 $0x7400  }
0x102: {  	[hbm4b:s5+s4] =	stream.indirect_vreg.scatter [tilespmem:s30], [sflag:$0x3], $0x80, v7, vm0, $0xb8;
	[tilespmem:$0x9400] =	vst v63  }
0x103: {  	_ = 	snop  }
0x104: {  	[hbm4b:s5+s4] =	stream.indirect_vreg.scatter [tilespmem:s2], [sflag:$0x3], $0x80, v6, vm0, $0xb8;
	[tilespmem:$0x9400] =	vst v63  }
0x105: {  	v6 =	vld [tilespmem:$0x13B0];
	_ =	sdelay $0x4  }
0x106: {  	v7 =	vshll.u32 v6, $0x1  }
0x107: {  	v6 =	vand.u32 $0x7, v6;
	v7 =	vand.u32 $0xFFFFFFF0, v7  }
0x108: {  	v6 =	vor.u32 v6, v7  }
0x109: {  	v7 =	vperm.xlane v6, v3;
	_ =	sdelay $0x1  }
0x10a: {  	v6 =	vperm.xlane v6, v5;
	v7 =	vadd.s32 v4, v7;
	_ =	sdelay $0x1  }
0x10b: {  	v6 =	vadd.s32 v4, v6;
	_ =	sdelay $0x2  }
0x10c: {  	[hbm4b:s5+s4] =	stream.indirect_vreg.scatter [tilespmem:s18], [sflag:$0x3], $0x80, v7, vm0, $0xb8;
	[tilespmem:$0x9400] =	vst v63  }
0x10d: {  	_ = 	snop  }
0x10e: {  	[hbm4b:s5+s4] =	stream.indirect_vreg.scatter [tilespmem:s1], [sflag:$0x3], $0x80, v6, vm0, $0xb8;
	[tilespmem:$0x9400] =	vst v63  }
0x10f: {  	_ = 	snop  }
0x110: {  	[hbm4b:s8+s4] =	stream.linear.scatter [tilespmem:s21], [sflag:$0x4], $0x40, $0x38;
	[tilespmem:$0x9400] =	vst v63  }
0x111: {  	_ =	swait.ge [sflag:s15], $0x40  }
0x112: {  	[sflag:s15] =	ssyncset.done $0x0  }
0x113: {  	[sflag:s15] =	ssyncadd.s32 $0xFFFFFFC0  }
0x114: {  	[hbm4b:s9+s4] =	stream.linear.scatter [tilespmem:s22], [sflag:$0x4], $0x40, $0x38;
	[tilespmem:$0x9400] =	vst v63  }
0x115: {  	_ =	swait.ge [sflag:s15], $0x40  }
0x116: {  	[sflag:s15] =	ssyncset.done $0x0  }
0x117: {  	s26 =	sadd.s32 $0x1, s26;
	[sflag:s15] =	ssyncadd.s32 $0xFFFFFFC0  }
0x118: {  	p1 =	sne.s32 s26, s10;
	_ =	swait.ge [sflag:s23], $0x4000  }
.Ltmp10:
0x119: {  	[sflag:s23] =	ssyncset.done $0x0;
	(pc) =	sbr.rel @p1 .LBB2_1-.Ltmp10, $4  }
0x11a: {  	[sflag:s23] =	ssyncadd.s32 $0xFFFFC000  }
0x11b: {  	_ =	swait.ge [sflag:s24], $0x4000  }
0x11c: {  	[sflag:s24] =	ssyncset.done $0x0  }
0x11d: {  	[sflag:s24] =	ssyncadd.s32 $0xFFFFC000  }
0x11e: {  	_ =	sfence.sel $0x180000  }
0x11f: {  	[bflag:$0x0] =	sbarrier.arrive $0xFFFF  }
0x120: {  	_ =	strace $0x90000047  }
0x121: {  	s0 =	stileid.u32;
	[bflag:$0x2] =	sbarrier.arrive $0xFFFF  }
0x122: {  	p0 =	sne.s32 s0, $0x0;
	s0 =	rddreg [dreg:$0x4]  }
0x123: {  	s0 =	sadd.s32 @!p0 $0x100000, s0  }
0x124: {  	[sflag:s0] =	ssyncadd.tile.s32 @!p0 $0x1;
	_ =	shalt  }
.Lfunc_end2:
_tile_overlayer_lowered:
.L_overlay_start_2:
0x125: {  	(tag) =	ssettag $0x2  }
0x126: {  	s0 =	rddreg [dreg:$0x0];
	s2 =	stileid.u32  }
0x127: {  	s1 =	rddreg [dreg:$0x1];
	p0 =	sne.s32 s2, $0x0  }
0x128: {  	s3 =	rddreg [dreg:$0x2];
	[bflag:$0x3] =	sbarrier.arrive $0xFFFF;
	s2 =	simm.s32 @!p0 $0x1C04  }
0x129: {  	[timem:s3], [sflag:s2] =	dma.local @!p0 [hbm:s0], s1  }
0x12a: {  	s0 =	simm.s32 @!p0 $0x4  }
0x12b: {  	_ =	swait.ge @!p0 [sflag:s0], s1  }
0x12c: {  	s1 =	ssub.s32 @!p0 $0x0, s1;
	[sflag:s0] =	ssyncset.done @!p0 $0x0  }
0x12d: {  	[sflag:s0] =	ssyncadd.s32 @!p0 s1  }
0x12e: {  	[bflag:$0x3] =	sbarrier.arrive $0xFFFF  }
0x12f: {  	_ =	shalt  }

// kernel: kernel.8.cloned.1.call-start
scs
__scs_entry_jumppad:
0x0: {  	(pc) =	sbr.rel $0x88, $3  }
0x1: {  	(tag) =	ssettag $0x0;
	lr =	simm.s32 $0x1  }
0x2: {  	[smem:$0x3F9E] =	sst lr;
	_ =	strace $0xD0000000  }
0x3: {  	_ = 	snop  }
0x4: {  	_ = 	snop  }
0x5: {  	_ = 	snop  }
0x6: {  	_ = 	snop  }
0x7: {  	_ = 	snop  }
__scs_overlays_trampoline_lowered:
0x8: {  	[smem:$0x3FAD] =	sst s0  }
0x9: {  	[smem:$0x3FAE] =	sst s1  }
0xa: {  	[smem:$0x3FAF] =	sst s2  }
0xb: {  	[smem:$0x3FB0] =	sst s3  }
0xc: {  	[smem:$0x3FB1] =	sst s4  }
0xd: {  	[smem:$0x3FB2] =	sst s5  }
0xe: {  	[smem:$0x3FB3] =	sst s6  }
0xf: {  	[smem:$0x3FB4] =	sst s7  }
0x10: {  	[smem:$0x3FB5] =	sst s8  }
0x11: {  	[smem:$0x3FB6] =	sst s9;
	s0 =	simm.s32 @!p0 $0x0  }
0x12: {  	s1 =	sld [smem:$0x3F9C];
	s0 =	simm.s32 @p0 $0x1  }
0x13: {  	[smem:$0x3FB7] =	sst s0;
	s0 =	simm.s32 @!p1 $0x0  }
0x14: {  	s2 =	sld [smem:$0x3F9B];
	s0 =	simm.s32 @p1 $0x1  }
0x15: {  	[smem:$0x3FB8] =	sst s0;
	s0 =	simm.s32 @!p2 $0x0  }
0x16: {  	s3 =	sld [smem:$0x3FDB];
	s0 =	simm.s32 @p2 $0x1  }
0x17: {  	s4 =	simm.s32 $0x1BF5;
	[smem:$0x3FBA] =	sst s0  }
0x18: {  	s0 =	sld [smem:$0x3F9D];
	_ =	swait.ge [sflag:s4], $0x0  }
0x19: {  	s7 =	sld [smem:$0x3F9E]  }
0x1a: {  	s8 =	sadd.s32 $0xFFFFE003, lr  }
0x1b: {  	s9 =	sadd.s32 $0xFFFFFEF7, lr;
	s5 =	simm.s32 $0xFFFFFFFF;
	p2 =	slt.u32 s8, $0xFFFFF086  }
0x1c: {  	p1 =	slt.u32 s9, $0xF7A;
	s5 =	simm.s32 @!p2 $0x0  }
0x1d: {  	s5 =	simm.s32 @p1 $0x1;
	p0 =	seq.s32 s7, s2  }
0x1e: {  	s7 =	smul.u32 @!p0 $0xF7A, s2;
	p2 =	seq.s32 @!p0 s5, $0x0  }
0x1f: {  	s9 =	smul.u32 $0xF7A, s1;
	s8 =	simm.s32 @!p0 $0x1BF5;
	p2 =	por !p2, p0  }
0x20: {  	[sflag:s8] =	ssyncset.s32 @!p0 $0xFFFFF086;
	s6 =	sadd.s32 @!p0 s3, s7;
	s7 =	simm.s32 @!p0 $0x108  }
0x21: {  	s3 =	sadd.s32 s3, s9;
	s6 =	sadd.s32 @!p0 $0x88, s6;
	s7 =	simm.s32 @p2 $0x1082  }
0x22: {  	[simem:s7], [sflag:s8] =	dma.local @!p0 [hbm:s6], $0xF7A  }
0x23: {  	s9 =	sor.u32 $0xD0000000, s2;
	s6 =	simm.s32 $0x108;
	_ =	swait.ge @!p0 [sflag:s8], $0x0  }
0x24: {  	s3 =	sadd.s32 $0x88, s3;
	s6 =	simm.s32 @!p1 $0x1082;
	[sflag:s4] =	ssyncset.s32 $0xFFFFF086  }
0x25: {  	[simem:s6], [sflag:s4] =	dma.local [hbm:s3], $0xF7A  }
0x26: {  	[smem:$0x3F9E] =	sst s1;
	(tag) =	ssettag s2;
	_ =	strace s9  }
0x27: {  	s1 =	sld [smem:$0x3FAE]  }
0x28: {  	s2 =	sld [smem:$0x3FAF]  }
0x29: {  	s4 =	sld [smem:$0x3FB1]  }
0x2a: {  	p0 =	seq.s32 s5, $0x0;
	s5 =	sld [smem:$0x3FB2]  }
0x2b: {  	s6 =	sld [smem:$0x3FB3]  }
0x2c: {  	s7 =	sld [smem:$0x3FB4]  }
0x2d: {  	s3 =	simm.s32 $0x108;
	s8 =	sld [smem:$0x3FB5]  }
0x2e: {  	s3 =	simm.s32 @!p0 $0x1082;
	s9 =	sld [smem:$0x3FB6]  }
0x2f: {  	lr =	sadd.s32 s0, s3;
	s0 =	sld [smem:$0x3FAD]  }
0x30: {  	s3 =	sld [smem:$0x3FB0]  }
0x31: {  	[smem:$0x3FB9] =	sst s10  }
0x32: {  	s10 =	sld [smem:$0x3FB7];
	_ =	sdelay $0x3  }
0x33: {  	p0 =	seq.s32 s10, $0x1;
	s10 =	sld [smem:$0x3FB9];
	_ =	sdelay $0x3  }
0x34: {  	[smem:$0x3FB9] =	sst s10  }
0x35: {  	s10 =	sld [smem:$0x3FB8];
	_ =	sdelay $0x3  }
0x36: {  	p1 =	seq.s32 s10, $0x1;
	s10 =	sld [smem:$0x3FB9];
	_ =	sdelay $0x3  }
0x37: {  	[smem:$0x3FB9] =	sst s10  }
0x38: {  	s10 =	sld [smem:$0x3FBA]  }
0x39: {  	_ = 	snop;
	(pc) =	sbr.ind lr, $3  }
0x3a: {  	_ = 	snop  }
0x3b: {  	_ = 	snop  }
0x3c: {  	p2 =	seq.s32 s10, $0x1;
	s10 =	sld [smem:$0x3FB9]  }
0x3d: {  	_ =	shalt  }
0x3e: {  	_ =	shalt  }
0x3f: {  	_ =	shalt  }
0x40: {  	_ =	shalt  }
0x41: {  	_ =	shalt  }
0x42: {  	_ =	shalt  }
0x43: {  	_ =	shalt  }
0x44: {  	_ =	shalt  }
0x45: {  	_ =	shalt  }
0x46: {  	_ =	shalt  }
0x47: {  	_ =	shalt  }
0x48: {  	_ =	shalt  }
0x49: {  	_ =	shalt  }
0x4a: {  	_ =	shalt  }
0x4b: {  	_ =	shalt  }
0x4c: {  	_ =	shalt  }
0x4d: {  	_ =	shalt  }
0x4e: {  	_ =	shalt  }
0x4f: {  	_ =	shalt  }
0x50: {  	_ =	shalt  }
0x51: {  	_ =	shalt  }
0x52: {  	_ =	shalt  }
0x53: {  	_ =	shalt  }
0x54: {  	_ =	shalt  }
0x55: {  	_ =	shalt  }
0x56: {  	_ =	shalt  }
0x57: {  	_ =	shalt  }
0x58: {  	_ =	shalt  }
0x59: {  	_ =	shalt  }
0x5a: {  	_ =	shalt  }
0x5b: {  	_ =	shalt  }
0x5c: {  	_ =	shalt  }
0x5d: {  	_ =	shalt  }
0x5e: {  	_ =	shalt  }
0x5f: {  	_ =	shalt  }
0x60: {  	_ =	shalt  }
0x61: {  	_ =	shalt  }
0x62: {  	_ =	shalt  }
0x63: {  	_ =	shalt  }
0x64: {  	_ =	shalt  }
0x65: {  	_ =	shalt  }
0x66: {  	_ =	shalt  }
0x67: {  	_ =	shalt  }
0x68: {  	_ =	shalt  }
0x69: {  	_ =	shalt  }
0x6a: {  	_ =	shalt  }
0x6b: {  	_ =	shalt  }
0x6c: {  	_ =	shalt  }
0x6d: {  	_ =	shalt  }
0x6e: {  	_ =	shalt  }
0x6f: {  	_ =	shalt  }
0x70: {  	_ =	shalt  }
0x71: {  	_ =	shalt  }
0x72: {  	_ =	shalt  }
0x73: {  	_ =	shalt  }
0x74: {  	_ =	shalt  }
0x75: {  	_ =	shalt  }
0x76: {  	_ =	shalt  }
0x77: {  	_ =	shalt  }
0x78: {  	_ =	shalt  }
0x79: {  	_ =	shalt  }
0x7a: {  	_ =	shalt  }
0x7b: {  	_ =	shalt  }
0x7c: {  	_ =	shalt  }
0x7d: {  	_ =	shalt  }
0x7e: {  	_ =	shalt  }
0x7f: {  	_ =	shalt  }
0x80: {  	_ =	shalt  }
0x81: {  	_ =	shalt  }
0x82: {  	_ =	shalt  }
0x83: {  	_ =	shalt  }
0x84: {  	_ =	shalt  }
0x85: {  	_ =	shalt  }
0x86: {  	_ =	shalt  }
0x87: {  	_ =	shalt  }
.Lfunc_end0:
.L_simem_size_0:
called_computation.1_lowered:
.L_overlay_start_0:
0x88: {  	s2 =	sld [smem:$0x3FD9]  }
0x89: {  	s3 =	sld [smem:$0x3FFE];
	_ =	sdelay $0x1  }
0x8a: {  	s1 =	srdreg.scid  }
0x8b: {  	s0 =	sand.u32 $0x1, s1  }
0x8c: {  	s17 =	sshll.u32 s0, $0xA;
	s2 =	sadd.s32 s3, s2  }
0x8d: {  	s2 =	sadd.s32 s2, s17  }
0x8e: {  	[smem:$0x3FC5] =	sst s2  }
0x8f: {  	_ = 	snop  }
0x90: {  	s2 =	sld [smem:$0x3FD0];
	(tm) =	ssettm $0x1  }
0x91: {  	s18 =	sld [smem:$0x3FFB];
	_ =	sdelay $0x3  }
0x92: {  	_ =	strace s18  }
0x93: {  	s3 =	sld [smem:$0x3FFC];
	_ =	sdelay $0x3  }
0x94: {  	_ =	strace s3  }
0x95: {  	s3 =	sld [smem:$0x3FFD];
	_ =	sdelay $0x3  }
0x96: {  	_ =	strace s3  }
0x97: {  	_ =	strace $0x8FFFFFFF  }
0x98: {  	s19 =	sld [smem:$0x3FDB];
	_ =	sdelay $0x1  }
0x99: {  	s4 =	simm.s32 $_scs_section_size  }
0x9a: {  	s5 =	simm.s32 $_size__tile_overlayer_lowered;
	s6 =	simm.s32 $_tile_overlayer_lowered  }
0x9b: {  	s22 =	simm.s32 $0x1BFF;
	s21 =	sshll.u32 s6, $0x1;
	s3 =	sadd.s32 s4, s19  }
0x9c: {  	s7 =	simm.s32 $0x0;
	s20 =	sshll.u32 s5, $0x1;
	s5 =	sadd.s32 s21, s3  }
0x9d: {  	[timem:s7], [sflag:s22] =	dma.local [hbm:s5], s20  }
0x9e: {  	_ =	swait.ge [sflag:s22], s20  }
0x9f: {  	s4 =	ssub.s32 $0x0, s20;
	[sflag:s22] =	ssyncset.done $0x0  }
0xa0: {  	[sflag:s22] =	ssyncadd.s32 s4;
	_ =	sdelay $0x1  }
0xa1: {  	s23 =	simm.s32 $0x1B8B  }
0xa2: {  	_ =	swait.ge [sflag:s23], $0x1  }
0xa3: {  	[sflag:s23] =	ssyncset.done $0x0  }
0xa4: {  	s25 =	simm.s32 $0x1B8E;
	s24 =	sld [smem:$0x3FFE];
	[sflag:s23] =	ssyncadd.s32 $0xFFFFFFFF  }
0xa5: {  	s26 =	simm.s32 $execute0_lowered;
	[smem:$0x3FD2] =	sst s25  }
0xa6: {  	s5 =	sshll.u32 s26, $0x1;
	_ =	strace $0x80000049;
	[dreg:$0x1] =	wrdreg $0xFFFFFFFF  }
0xa7: {  	s28 =	simm.s32 $_size_execute0_lowered;
	s3 =	sadd.s32 s3, s5;
	[dreg:$0x0] =	wrdreg $0x0  }
0xa8: {  	s5 =	sshll.u32 s28, $0x1;
	[dreg:$0x2] =	wrdreg s3  }
0xa9: {  	[dreg:$0x3] =	wrdreg s5  }
0xaa: {  	[dreg:$0x4] =	wrdreg $0xC0  }
0xab: {  	_ =	task [dreg:s7], $0x5FFFF  }
0xac: {  	[dreg:$0x1] =	wrdreg $0xFFFFFFFF  }
0xad: {  	[dreg:$0x0] =	wrdreg $0x60  }
0xae: {  	[dreg:$0x2] =	wrdreg s24  }
0xaf: {  	[dreg:$0x3] =	wrdreg s2  }
0xb0: {  	[dreg:$0x4] =	wrdreg $0x9  }
0xb1: {  	_ =	task.clear_ibuf [dreg:s7], $0x5FFFF;
	_ =	strace $0x90000049  }
0xb2: {  	s29 =	simm.s32 $0x9;
	_ =	strace $0x8000004B  }
0xb3: {  	_ =	swait.ge [sflag:s29], $0x1  }
0xb4: {  	[sflag:s29] =	ssyncadd.s32 $0xFFFFFFFF  }
0xb5: {  	_ =	strace $0x9000004B  }
0xb6: {  	_ =	sfence  }
0xb7: {  	s30 =	sld [smem:$0x0];
	_ =	sdelay $0x2  }
0xb8: {  	s31 =	sshll.u32 s1, $0xD;
	s1 =	sshrl.u32 s1, $0x2  }
0xb9: {  	s3 =	sand.u32 $0x4000, s31;
	s1 =	sadd.s32 s1, s30  }
0xba: {  	s0 =	sor.u32 s3, s0;
	s1 =	sshll.u32 s1, $0x11  }
0xbb: {  	s0 =	sor.u32 s1, s0  }
0xbc: {  	s0 =	sadd.s32 $0x8F2B, s0  }
0xbd: {  	[sflag:s0] =	ssyncadd.remote.s32 $0x1  }
0xbe: {  	_ =	sfence.sel $0xFFFF  }
0xbf: {  	[dreg:$0x0] =	wrdreg $0xFFFFFFFF;
	(pc) =	sbr.abs _section_cstart, $3  }
0xc0: {  	[dreg:$0x1] =	wrdreg $0xFFFFFFFF  }
0xc1: {  	_ =	task.clear_ibuf [dreg:s7], $0x2FFFF;
	_ =	strace $0x9FFFFFFF  }
0xc2: {  	(tm) =	ssettm $0x7FFFFFFF  }
0xc3: {  	_ =	shalt  }
tec
execute0_lowered:
.L_overlay_start_1:
0x0: {  	(tag) =	ssettag $0x1  }
0x1: {  	s3 =	rddreg [dreg:$0x0]  }
0x2: {  	s7 =	rddreg [dreg:$0x1]  }
0x3: {  	s0 =	rddreg [dreg:$0x2];
	s1 =	simm.s32 $0x0  }
0x4: {  	s4 =	srdreg.scid;
	s2 =	stileid.u32;
	s11 =	simm.s32 $0x900  }
0x5: {  	s12 =	simm.s32 $0x1100;
	s13 =	simm.s32 $0x1900;
	s14 =	simm.s32 $0x2100  }
0x6: {  	s15 =	simm.s32 $0x2900;
	s16 =	simm.s32 $0x3100;
	s17 =	simm.s32 $0x3900  }
0x7: {  	s18 =	simm.s32 $0x80;
	s19 =	simm.s32 $0x4100;
	s20 =	simm.s32 $0x4900  }
0x8: {  	s21 =	simm.s32 $0x5100;
	s22 =	simm.s32 $0x5900;
	s23 =	simm.s32 $0x6100  }
0x9: {  	s24 =	simm.s32 $0x6900;
	s28 =	simm.s32 $0x1;
	s29 =	simm.s32 $0x2  }
0xa: {  	s30 =	simm.s32 $0x3;
	s31 =	simm.s32 $0x4;
	[smem:$0x7FF] =	sst s1  }
0xb: {  	s5 =	sadd.s32 $0x61000, s3;
	s4 =	sand.u32 $0x1, s4;
	s8 =	sshll.u32 s2, $0x8  }
0xc: {  	s3 =	sadd.s32 $0x1000, s3;
	s6 =	ssub.s32 $0x2, s4;
	s4 =	sshll.u32 s4, $0x7  }
0xd: {  	_ =	strace $0x8000004A;
	s9 =	sshrl.u32 s6, $0x1;
	s8 =	sor.u32 s4, s8  }
0xe: {  	s9 =	ssub.s32 s6, s9;
	s4 =	sshrl.u32 s8, $0x3;
	s10 =	sor.u32 $0x40, s8  }
0xf: {  	s8 =	sshll.u32 s8, $0x5;
	s4 =	sadd.s32 s5, s4;
	s25 =	sshrl.u32 s10, $0x3  }
0x10: {  	v2 =	vlaneseq.u32;
	s6 =	sadd.s32 s7, s8;
	s26 =	sshll.u32 s10, $0x5;
	s8 =	smax.u32 s9, $0x1  }
0x11: {  	vm0 =	vmmov $0xffff;
	v1 =	vshrl.u32 v2, $0x3;
	s9 =	simm.s32 $0x5;
	s10 =	simm.s32 $0x100;
	s5 =	sadd.s32 s5, s25  }
0x12: {  	v0 =	vand.u32 $0x7, v2;
	v2 =	vor.u32 $0x8, v2;
	v1 =	vmul.u32 $0x8, v1;
	s7 =	sadd.s32 s7, s26;
	s25 =	simm.s32 $0x7100;
	s26 =	simm.s32 $0x7900  }
.LBB2_1:
0x13: {  	[tilespmem:s1], [sflag:$0x5] =	stream.linear.gather [hbm4b:s4+s1], $0x40, $0x38;
	[tilespmem:$0x8100] =	vst v63  }
0x14: {  	_ =	swait.ge [sflag:s9], $0x40  }
0x15: {  	[sflag:s9] =	ssyncset.done $0x0  }
0x16: {  	[sflag:s9] =	ssyncadd.s32 $0xFFFFFFC0  }
0x17: {  	v3 =	vld [tilespmem:$0x0];
	_ =	sdelay $0x4  }
0x18: {  	v4 =	vshll.u32 v3, $0x1  }
0x19: {  	v3 =	vand.u32 $0x7, v3;
	v4 =	vand.u32 $0xFFFFFFF0, v4  }
0x1a: {  	v3 =	vor.u32 v3, v4  }
0x1b: {  	v4 =	vperm.xlane v3, v0;
	_ =	sdelay $0x1  }
0x1c: {  	v3 =	vperm.xlane v3, v2;
	v4 =	vadd.s32 v1, v4;
	_ =	sdelay $0x1  }
0x1d: {  	v3 =	vadd.s32 v1, v3;
	_ =	sdelay $0x2  }
0x1e: {  	[tilespmem:s10], [sflag:$0x1] =	stream.indirect_vreg.gather [hbm4b:s3+s1], $0x80, v4, vm0, $0xb8;
	[tilespmem:$0x8100] =	vst v63  }
0x1f: {  	_ = 	snop  }
0x20: {  	[tilespmem:s11], [sflag:$0x1] =	stream.indirect_vreg.gather [hbm4b:s3+s1], $0x80, v3, vm0, $0xb8;
	[tilespmem:$0x8100] =	vst v63  }
0x21: {  	v3 =	vld [tilespmem:$0x10];
	_ =	sdelay $0x4  }
0x22: {  	v57 =	vshll.u32 v3, $0x1  }
0x23: {  	v3 =	vand.u32 $0x7, v3;
	v4 =	vand.u32 $0xFFFFFFF0, v57  }
0x24: {  	v3 =	vor.u32 v3, v4  }
0x25: {  	v4 =	vperm.xlane v3, v0;
	_ =	sdelay $0x1  }
0x26: {  	v3 =	vperm.xlane v3, v2;
	v4 =	vadd.s32 v1, v4;
	_ =	sdelay $0x1  }
0x27: {  	v3 =	vadd.s32 v1, v3;
	_ =	sdelay $0x2  }
0x28: {  	[tilespmem:s12], [sflag:$0x1] =	stream.indirect_vreg.gather [hbm4b:s3+s1], $0x80, v4, vm0, $0xb8;
	[tilespmem:$0x8100] =	vst v63  }
0x29: {  	_ = 	snop  }
0x2a: {  	[tilespmem:s13], [sflag:$0x1] =	stream.indirect_vreg.gather [hbm4b:s3+s1], $0x80, v3, vm0, $0xb8;
	[tilespmem:$0x8100] =	vst v63  }
0x2b: {  	v3 =	vld [tilespmem:$0x20];
	_ =	sdelay $0x4  }
0x2c: {  	v58 =	vshll.u32 v3, $0x1  }
0x2d: {  	v3 =	vand.u32 $0x7, v3;
	v4 =	vand.u32 $0xFFFFFFF0, v58  }
0x2e: {  	v3 =	vor.u32 v3, v4  }
0x2f: {  	v4 =	vperm.xlane v3, v0;
	_ =	sdelay $0x1  }
0x30: {  	v3 =	vperm.xlane v3, v2;
	v4 =	vadd.s32 v1, v4;
	_ =	sdelay $0x1  }
0x31: {  	v3 =	vadd.s32 v1, v3;
	_ =	sdelay $0x2  }
0x32: {  	[tilespmem:s14], [sflag:$0x1] =	stream.indirect_vreg.gather [hbm4b:s3+s1], $0x80, v4, vm0, $0xb8;
	[tilespmem:$0x8100] =	vst v63  }
0x33: {  	_ = 	snop  }
0x34: {  	[tilespmem:s15], [sflag:$0x1] =	stream.indirect_vreg.gather [hbm4b:s3+s1], $0x80, v3, vm0, $0xb8;
	[tilespmem:$0x8100] =	vst v63  }
0x35: {  	v3 =	vld [tilespmem:$0x30];
	_ =	sdelay $0x4  }
0x36: {  	v59 =	vshll.u32 v3, $0x1  }
0x37: {  	v3 =	vand.u32 $0x7, v3;
	v4 =	vand.u32 $0xFFFFFFF0, v59  }
0x38: {  	v3 =	vor.u32 v3, v4  }
0x39: {  	v4 =	vperm.xlane v3, v0;
	_ =	sdelay $0x1  }
0x3a: {  	v3 =	vperm.xlane v3, v2;
	v4 =	vadd.s32 v1, v4;
	_ =	sdelay $0x1  }
0x3b: {  	v3 =	vadd.s32 v1, v3;
	_ =	sdelay $0x2  }
0x3c: {  	[tilespmem:s16], [sflag:$0x1] =	stream.indirect_vreg.gather [hbm4b:s3+s1], $0x80, v4, vm0, $0xb8;
	[tilespmem:$0x8100] =	vst v63  }
0x3d: {  	_ = 	snop  }
0x3e: {  	[tilespmem:s17], [sflag:$0x1] =	stream.indirect_vreg.gather [hbm4b:s3+s1], $0x80, v3, vm0, $0xb8;
	[tilespmem:$0x8100] =	vst v63  }
0x3f: {  	_ = 	snop  }
0x40: {  	[tilespmem:s18], [sflag:$0x5] =	stream.linear.gather [hbm4b:s5+s1], $0x40, $0x38;
	[tilespmem:$0x8100] =	vst v63  }
0x41: {  	_ =	swait.ge [sflag:s9], $0x40  }
0x42: {  	[sflag:s9] =	ssyncset.done $0x0  }
0x43: {  	[sflag:s9] =	ssyncadd.s32 $0xFFFFFFC0  }
0x44: {  	v3 =	vld [tilespmem:$0x80];
	_ =	sdelay $0x4  }
0x45: {  	v60 =	vshll.u32 v3, $0x1  }
0x46: {  	v3 =	vand.u32 $0x7, v3;
	v4 =	vand.u32 $0xFFFFFFF0, v60  }
0x47: {  	v3 =	vor.u32 v3, v4  }
0x48: {  	v4 =	vperm.xlane v3, v0;
	_ =	sdelay $0x1  }
0x49: {  	v3 =	vperm.xlane v3, v2;
	v4 =	vadd.s32 v1, v4;
	_ =	sdelay $0x1  }
0x4a: {  	v3 =	vadd.s32 v1, v3;
	_ =	sdelay $0x2  }
0x4b: {  	[tilespmem:s19], [sflag:$0x2] =	stream.indirect_vreg.gather [hbm4b:s3+s1], $0x80, v4, vm0, $0xb8;
	[tilespmem:$0x8100] =	vst v63  }
0x4c: {  	_ = 	snop  }
0x4d: {  	[tilespmem:s20], [sflag:$0x2] =	stream.indirect_vreg.gather [hbm4b:s3+s1], $0x80, v3, vm0, $0xb8;
	[tilespmem:$0x8100] =	vst v63  }
0x4e: {  	v3 =	vld [tilespmem:$0x90];
	_ =	sdelay $0x4  }
0x4f: {  	v61 =	vshll.u32 v3, $0x1  }
0x50: {  	v3 =	vand.u32 $0x7, v3;
	v4 =	vand.u32 $0xFFFFFFF0, v61  }
0x51: {  	v3 =	vor.u32 v3, v4  }
0x52: {  	v4 =	vperm.xlane v3, v0;
	_ =	sdelay $0x1  }
0x53: {  	v3 =	vperm.xlane v3, v2;
	v4 =	vadd.s32 v1, v4;
	_ =	sdelay $0x1  }
0x54: {  	v3 =	vadd.s32 v1, v3;
	_ =	sdelay $0x2  }
0x55: {  	[tilespmem:s21], [sflag:$0x2] =	stream.indirect_vreg.gather [hbm4b:s3+s1], $0x80, v4, vm0, $0xb8;
	[tilespmem:$0x8100] =	vst v63  }
0x56: {  	_ = 	snop  }
0x57: {  	[tilespmem:s22], [sflag:$0x2] =	stream.indirect_vreg.gather [hbm4b:s3+s1], $0x80, v3, vm0, $0xb8;
	[tilespmem:$0x8100] =	vst v63  }
0x58: {  	v3 =	vld [tilespmem:$0xA0];
	_ =	sdelay $0x4  }
0x59: {  	v62 =	vshll.u32 v3, $0x1  }
0x5a: {  	v3 =	vand.u32 $0x7, v3;
	v4 =	vand.u32 $0xFFFFFFF0, v62  }
0x5b: {  	v3 =	vor.u32 v3, v4  }
0x5c: {  	v4 =	vperm.xlane v3, v0;
	_ =	sdelay $0x1  }
0x5d: {  	v3 =	vperm.xlane v3, v2;
	v4 =	vadd.s32 v1, v4;
	_ =	sdelay $0x1  }
0x5e: {  	v3 =	vadd.s32 v1, v3;
	_ =	sdelay $0x2  }
0x5f: {  	[tilespmem:s23], [sflag:$0x2] =	stream.indirect_vreg.gather [hbm4b:s3+s1], $0x80, v4, vm0, $0xb8;
	[tilespmem:$0x8100] =	vst v63  }
0x60: {  	_ = 	snop  }
0x61: {  	[tilespmem:s24], [sflag:$0x2] =	stream.indirect_vreg.gather [hbm4b:s3+s1], $0x80, v3, vm0, $0xb8;
	[tilespmem:$0x8100] =	vst v63  }
0x62: {  	v3 =	vld [tilespmem:$0xB0];
	_ =	sdelay $0x4  }
0x63: {  	v63 =	vshll.u32 v3, $0x1  }
0x64: {  	v3 =	vand.u32 $0x7, v3;
	v4 =	vand.u32 $0xFFFFFFF0, v63  }
0x65: {  	v3 =	vor.u32 v3, v4  }
0x66: {  	v4 =	vperm.xlane v3, v0;
	_ =	sdelay $0x1  }
0x67: {  	v3 =	vperm.xlane v3, v2;
	v4 =	vadd.s32 v1, v4;
	_ =	sdelay $0x1  }
0x68: {  	v3 =	vadd.s32 v1, v3;
	_ =	sdelay $0x2  }
0x69: {  	[tilespmem:s25], [sflag:$0x2] =	stream.indirect_vreg.gather [hbm4b:s3+s1], $0x80, v4, vm0, $0xb8;
	[tilespmem:$0x8100] =	vst v63  }
0x6a: {  	_ = 	snop  }
0x6b: {  	[tilespmem:s26], [sflag:$0x2] =	stream.indirect_vreg.gather [hbm4b:s3+s1], $0x80, v3, vm0, $0xb8;
	[tilespmem:$0x8100] =	vst v63  }
0x6c: {  	_ =	swait.ge [sflag:s28], $0x4000  }
0x6d: {  	[sflag:s28] =	ssyncset.done $0x0  }
0x6e: {  	[sflag:s28] =	ssyncadd.s32 $0xFFFFC000  }
0x6f: {  	[hbm4b:s6+s1] =	stream.linear.scatter [tilespmem:s10], [sflag:$0x3], $0x4000, $0x38;
	[tilespmem:$0x8100] =	vst v63  }
0x70: {  	_ =	swait.ge [sflag:s29], $0x4000  }
0x71: {  	[sflag:s29] =	ssyncset.done $0x0  }
0x72: {  	[sflag:s29] =	ssyncadd.s32 $0xFFFFC000  }
0x73: {  	[hbm4b:s7+s1] =	stream.linear.scatter [tilespmem:s19], [sflag:$0x4], $0x4000, $0x38;
	[tilespmem:$0x8100] =	vst v63  }
0x74: {  	p0 =	sne.s32 s8, $0x1;
	_ =	swait.ge [sflag:s30], $0x4000  }
.Ltmp0:
0x75: {  	[sflag:s30] =	ssyncset.done $0x0;
	(pc) =	sbr.rel @p0 .LBB2_1-.Ltmp0, $4  }
0x76: {  	[sflag:s30] =	ssyncadd.s32 $0xFFFFC000  }
0x77: {  	_ =	swait.ge [sflag:s31], $0x4000  }
0x78: {  	[sflag:s31] =	ssyncset.done $0x0  }
0x79: {  	s8 =	sadd.s32 $0xFFFFFFFF, s8;
	[sflag:s31] =	ssyncadd.s32 $0xFFFFC000  }
0x7a: {  	_ =	sfence.sel $0x180000  }
0x7b: {  	[bflag:$0x0] =	sbarrier.arrive $0xFFFF  }
0x7c: {  	p0 =	sne.s32 s2, $0x0;
	_ =	strace $0x9000004A  }
0x7d: {  	s0 =	sadd.s32 @!p0 $0x100000, s0;
	[bflag:$0x2] =	sbarrier.arrive $0xFFFF  }
0x7e: {  	[sflag:s0] =	ssyncadd.tile.s32 @!p0 $0x1;
	_ =	shalt  }
.Lfunc_end2:
_tile_overlayer_lowered:
.L_overlay_start_2:
0x7f: {  	(tag) =	ssettag $0x2  }
0x80: {  	s0 =	rddreg [dreg:$0x0];
	s2 =	stileid.u32  }
0x81: {  	s1 =	rddreg [dreg:$0x1];
	p0 =	sne.s32 s2, $0x0  }
0x82: {  	s3 =	rddreg [dreg:$0x2];
	[bflag:$0x3] =	sbarrier.arrive $0xFFFF;
	s2 =	simm.s32 @!p0 $0x1C05  }
0x83: {  	[timem:s3], [sflag:s2] =	dma.local @!p0 [hbm:s0], s1  }
0x84: {  	s0 =	simm.s32 @!p0 $0x5  }
0x85: {  	_ =	swait.ge @!p0 [sflag:s0], s1  }
0x86: {  	s1 =	ssub.s32 @!p0 $0x0, s1;
	[sflag:s0] =	ssyncset.done @!p0 $0x0  }
0x87: {  	[sflag:s0] =	ssyncadd.s32 @!p0 s1  }
0x88: {  	[bflag:$0x3] =	sbarrier.arrive $0xFFFF  }
0x89: {  	_ =	shalt  }

</sc_bundles>
